<compile_context>
chip_gen: v7x
topology: tpu7x:2x2x1
jax: 0.10.2.dev20260603
libtpu: 0.0.44.dev20260713+nightly
codegen_flags: <defaults>
</compile_context>

<pallas_src>
import functools

import jax
import jax.numpy as jnp
from jax import lax
from jax.experimental import pallas as pl
from jax.experimental.pallas import tpu as pltpu
from jax.experimental.pallas import tpu_sc as plsc

_N = 65536
_H = 64
_D = 64
_K = 1024
_EPS = 1e-5

_SLABS = 1
_BN = 4096
_SC_CORES = 2
_SC_SUBCORES = 16
_NW = _SC_CORES * _SC_SUBCORES
_CHUNK = 512


def _tc_body(xy_ref, w1_ref, b1_ref, g_ref, be_ref, w2_ref, b2_ref, cbt_ref,
             cbtbf_ref, ks_ref, idx_ref, idxp_ref, loss_ref, c2_ref):
    i = pl.program_id(0)

    @pl.when(i == 0)
    def _precompute():
        cbt_full = cbt_ref[...]
        c2_ref[...] = jnp.sum(cbt_full * cbt_full, axis=0, keepdims=True)

    bf = jnp.bfloat16
    xyf = xy_ref[...].astype(jnp.float32)
    nxy = xyf / 511.0 * 2.0 - 1.0
    h = jnp.dot(nxy.astype(bf), w1_ref[...].astype(bf),
                preferred_element_type=jnp.float32) + b1_ref[...]
    mu = jnp.mean(h, axis=-1, keepdims=True)
    var = jnp.mean((h - mu) ** 2, axis=-1, keepdims=True)
    h = (h - mu) / jnp.sqrt(var + _EPS) * g_ref[...] + be_ref[...]
    h = jnp.maximum(h, 0.0)
    z = jnp.dot(h.astype(bf), w2_ref[...].astype(bf),
                preferred_element_type=jnp.float32) + b2_ref[...]

    z2 = jnp.sum(z * z, axis=1, keepdims=True)
    c2 = c2_ref[...]
    zc2 = jnp.dot((2.0 * z).astype(bf), cbtbf_ref[...],
                  preferred_element_type=jnp.float32)
    d = z2 - zc2 + c2
    dmin = jnp.min(d, axis=1, keepdims=True)
    kf = jnp.where(d == dmin, ks_ref[...], float(_K))
    imin = jnp.min(kf, axis=1, keepdims=True).astype(jnp.int32)
    idx_ref[...] = imin
    idxp_ref[...] = imin.reshape(_BN // 128, 128)

    @pl.when(i == 0)
    def _init():
        loss_ref[...] = jnp.zeros((1, 1), jnp.float32)

    loss_ref[...] += jnp.sum(dmin).reshape(1, 1)

    @pl.when(i == pl.num_programs(0) - 1)
    def _finish():
        loss_ref[...] = loss_ref[...] * (1.25 / (_N * _D))


def _tc_quantize(xy, W1, b1, gamma, beta, W2, b2, cbT, cbT_bf, ks):
    n = xy.shape[0]
    rep = lambda i: (0, 0)
    return pl.pallas_call(
        _tc_body,
        grid=(n // _BN,),
        in_specs=[
            pl.BlockSpec((_BN, 2), lambda i: (i, 0)),
            pl.BlockSpec((2, _H), rep),
            pl.BlockSpec((1, _H), rep),
            pl.BlockSpec((1, _H), rep),
            pl.BlockSpec((1, _H), rep),
            pl.BlockSpec((_H, _D), rep),
            pl.BlockSpec((1, _D), rep),
            pl.BlockSpec((_D, _K), rep),
            pl.BlockSpec((_D, _K), rep),
            pl.BlockSpec((1, _K), rep),
        ],
        out_specs=[
            pl.BlockSpec((_BN, 1), lambda i: (i, 0)),
            pl.BlockSpec((_BN // 128, 128), lambda i: (i, 0)),
            pl.BlockSpec((1, 1), rep),
        ],
        out_shape=[
            jax.ShapeDtypeStruct((n, 1), jnp.int32),
            jax.ShapeDtypeStruct((n // 128, 128), jnp.int32),
            jax.ShapeDtypeStruct((1, 1), jnp.float32),
        ],
        scratch_shapes=[pltpu.VMEM((1, _K), jnp.float32)],
        compiler_params=pltpu.CompilerParams(
            dimension_semantics=("arbitrary",)),
    )(xy, W1, b1, gamma, beta, W2, b2, cbT, cbT_bf, ks)


def _sc_gather(codebook, idx_flat):
    n = idx_flat.shape[0]
    rows_per_w = n // _NW
    mesh = plsc.VectorSubcoreMesh(core_axis_name="c", subcore_axis_name="s")

    @functools.partial(
        pl.kernel,
        mesh=mesh,
        out_type=jax.ShapeDtypeStruct((n, _D), jnp.float32),
        scratch_types=[
            pltpu.VMEM((_K, _D), jnp.float32),
            pltpu.VMEM_SHARED((_K, _D), jnp.float32),
            pltpu.VMEM((_CHUNK,), jnp.int32),
            pltpu.VMEM((_CHUNK, _D), jnp.float32),
            pltpu.SemaphoreType.DMA,
        ],
        compiler_params=pltpu.CompilerParams(use_tc_tiling_on_sc=False),
    )
    def gather_kernel(cb_hbm, idx_hbm, out_hbm, tmp_v, cb_sh, idx_v, rows_v,
                      sem):
        sid = lax.axis_index("s")
        wid = sid * _SC_CORES + lax.axis_index("c")

        @pl.when(sid == 0)
        def _stage():
            pltpu.sync_copy(cb_hbm, tmp_v)
            pltpu.sync_copy(tmp_v, cb_sh)

        plsc.subcore_barrier()
        base = wid * rows_per_w
        for c in range(rows_per_w // _CHUNK):
            off = base + c * _CHUNK
            pltpu.sync_copy(idx_hbm.at[pl.ds(off, _CHUNK)], idx_v)
            pltpu.async_copy(cb_sh.at[idx_v], rows_v, sem).wait()
            pltpu.sync_copy(rows_v, out_hbm.at[pl.ds(off, _CHUNK)])

    return gather_kernel(codebook, idx_flat)


def kernel(xy, W1, b1, gamma, beta, W2, b2, codebook):
    cbT = codebook.T
    cbT_bf = cbT.astype(jnp.bfloat16)
    ks = jnp.arange(_K, dtype=jnp.float32).reshape(1, _K)
    b1r, gr, ber = (b1.reshape(1, _H), gamma.reshape(1, _H),
                    beta.reshape(1, _H))
    b2r = b2.reshape(1, _D)

    slab = _N // _SLABS
    qs, idxs, losses = [], [], []
    for s in range(_SLABS):
        xy_s = lax.slice_in_dim(xy, s * slab, (s + 1) * slab, axis=0)
        idx_s, idxp_s, loss_s = _tc_quantize(
            xy_s, W1, b1r, gr, ber, W2, b2r, cbT, cbT_bf, ks)
        qs.append(_sc_gather(codebook, idxp_s.reshape(slab)))
        idxs.append(idx_s)
        losses.append(loss_s)

    if _SLABS == 1:
        return (qs[0], idxs[0], losses[0].reshape(()))
    q = jnp.concatenate(qs, axis=0)
    idx2d = jnp.concatenate(idxs, axis=0)
    loss = functools.reduce(jnp.add, losses).reshape(())
    return (q, idx2d, loss)

# --- scband reference (transcript-rebuilt; emitter-appended) ---
"""Pipeline reference for scband-quantizer2-d-39402029974035 (READ-ONLY COPY).

The authoritative reference and input builder live on the scoring server;
editing this copy changes nothing except your own understanding.
"""

import jax, jax.numpy as jnp
import numpy as np

N = 65536
H = 64
D = 64
K = 1024
IMG = (512, 512)
EPS = 1e-5


def setup_inputs(seed: int = 0) -> dict:
    key = jax.random.key(seed)
    ks = jax.random.split(key, 8)
    xy = jax.random.randint(ks[0], (N, 2), 0, 512).astype(jnp.int32)
    W1 = jax.random.normal(ks[1], (2, H), dtype=jnp.float32) * (1.0 / np.sqrt(2.0))
    b1 = jnp.zeros((H,), dtype=jnp.float32)
    gamma = jnp.ones((H,), dtype=jnp.float32)
    beta = jnp.zeros((H,), dtype=jnp.float32)
    W2 = jax.random.normal(ks[2], (H, D), dtype=jnp.float32) * (1.0 / np.sqrt(H))
    b2 = jnp.zeros((D,), dtype=jnp.float32)
    codebook = jax.random.uniform(ks[3], (K, D), dtype=jnp.float32, minval=-1.0 / K, maxval=1.0 / K)
    return {"xy": xy, "W1": W1, "b1": b1, "gamma": gamma, "beta": beta, "W2": W2, "b2": b2, "codebook": codebook}


def reference(xy, W1, b1, gamma, beta, W2, b2, codebook):
    # normalize coordinates to [-1, 1]
    f = xy.astype(jnp.float32)
    nx = f[:, 0] / (IMG[0] - 1) * 2.0 - 1.0
    ny = f[:, 1] / (IMG[1] - 1) * 2.0 - 1.0
    norm_xy = jnp.stack([nx, ny], axis=1)
    # encoder: Linear(2, H) -> LayerNorm -> ReLU -> Linear(H, D)
    h = norm_xy @ W1 + b1
    mu = jnp.mean(h, axis=-1, keepdims=True)
    var = jnp.mean((h - mu) ** 2, axis=-1, keepdims=True)
    h = (h - mu) / jnp.sqrt(var + EPS) * gamma + beta
    h = jax.nn.relu(h)
    z = h @ W2 + b2
    # vector quantization
    flat_z = z.reshape(-1, D)
    distances = (jnp.sum(flat_z ** 2, axis=1, keepdims=True)
                 - 2.0 * flat_z @ codebook.T
                 + jnp.sum(codebook ** 2, axis=1))
    encoding_indices = jnp.argmin(distances, axis=1)
    quantized = jnp.take(codebook, encoding_indices, axis=0)
    quantized = flat_z + jax.lax.stop_gradient(quantized - flat_z)
    loss = (jnp.mean((jax.lax.stop_gradient(quantized) - flat_z) ** 2)
            + 0.25 * jnp.mean((quantized - jax.lax.stop_gradient(flat_z)) ** 2))
    q = quantized.reshape(z.shape)
    idx = encoding_indices.reshape(z.shape[0], -1)
    return (q, idx, loss)

if __name__ == "__main__":
    import jax
    _d = setup_inputs()
    print(jax.jit(kernel)(*tuple(_d.values())))

</pallas_src>

<mosaic_0001>
#map = affine_map<(d0, d1) -> (0, 0)>
#map1 = affine_map<(d0, d1) -> (0)>
module attributes {stable_mosaic.version = 14 : i64} {
  func.func @gather_kernel(%arg0: i32, %arg1: i32, %arg2: memref<1024x64xf32, #tpu.memory_space<hbm>>, %arg3: memref<65536xi32, #tpu.memory_space<hbm>>, %arg4: memref<65536x64xf32, #tpu.memory_space<hbm>>, %arg5: memref<1024x64xf32, #tpu.memory_space<vmem>>, %arg6: memref<1024x64xf32, #tpu.memory_space<vmem_shared>>, %arg7: memref<512xi32, #tpu.memory_space<vmem>>, %arg8: memref<512x64xf32, #tpu.memory_space<vmem>>, %arg9: memref<!tpu.dma_semaphore, #tpu.memory_space<semaphore_mem>>) attributes {dimension_semantics = [#tpu.dimension_semantics<core_parallel>, #tpu.dimension_semantics<subcore_parallel>], iteration_bounds = array<i64: 2, 16>, scalar_prefetch = 0 : i64, scratch_operands = 5 : i64, tpu.core_type = #tpu.core_type<sc_vector_subcore>, window_params = [{transform_indices = #map}, {transform_indices = #map1}, {transform_indices = #map}]} {
    %mul3A = arith.constant 2 : i32
    %mul3A_0 = arith.muli %arg1, %mul3A : i32
    %add3A = arith.addi %mul3A_0, %arg0 : i32
    %eq3A = arith.constant 0 : i32
    %eq3A_1 = arith.cmpi eq, %arg1, %eq3A : i32
    %convert_element_type3A = arith.extui %eq3A_1 : i1 to i32
    %cond3A = arith.constant 0 : i32
    %cond3A_2 = arith.cmpi ne, %convert_element_type3A, %cond3A : i32
    scf.if %cond3A_2 {
      "tpu.region"() ({
        %run_scoped3A = tpu.sem_alloc : memref<!tpu.dma_semaphore, #tpu.memory_space<semaphore_mem>>
        tpu.enqueue_dma source(%arg2 : memref<1024x64xf32, #tpu.memory_space<hbm>>) target(%arg5 : memref<1024x64xf32, #tpu.memory_space<vmem>>) target_semaphore(%run_scoped3A : memref<!tpu.dma_semaphore, #tpu.memory_space<semaphore_mem>>)
        tpu.wait_dma2 semaphore(%run_scoped3A : memref<!tpu.dma_semaphore, #tpu.memory_space<semaphore_mem>>) src(%arg2 : memref<1024x64xf32, #tpu.memory_space<hbm>>) dst(%arg5 : memref<1024x64xf32, #tpu.memory_space<vmem>>)
        tpu.yield
      }) : () -> ()
      "tpu.region"() ({
        %run_scoped3A = tpu.sem_alloc : memref<!tpu.dma_semaphore, #tpu.memory_space<semaphore_mem>>
        tpu.enqueue_dma source(%arg5 : memref<1024x64xf32, #tpu.memory_space<vmem>>) target(%arg6 : memref<1024x64xf32, #tpu.memory_space<vmem_shared>>) target_semaphore(%run_scoped3A : memref<!tpu.dma_semaphore, #tpu.memory_space<semaphore_mem>>)
        tpu.wait_dma2 semaphore(%run_scoped3A : memref<!tpu.dma_semaphore, #tpu.memory_space<semaphore_mem>>) src(%arg5 : memref<1024x64xf32, #tpu.memory_space<vmem>>) dst(%arg6 : memref<1024x64xf32, #tpu.memory_space<vmem_shared>>)
        tpu.yield
      }) : () -> ()
    } else {
    }
    %barrier3A = arith.constant 0 : index
    tpu.barrier barrier_id(%barrier3A)
    %mul3A_3 = arith.constant 2048 : i32
    %mul3A_4 = arith.muli %add3A, %mul3A_3 : i32
    %add3A_5 = arith.constant 0 : i32
    %add3A_6 = arith.addi %mul3A_4, %add3A_5 : i32
    "tpu.region"() ({
      %run_scoped3A = tpu.sem_alloc : memref<!tpu.dma_semaphore, #tpu.memory_space<semaphore_mem>>
      %dma_start3A_35 = tpu.memref_slice %arg3[%add3A_6] : memref<65536xi32, #tpu.memory_space<hbm>> -> memref<512xi32, #tpu.memory_space<hbm>>
      %dma_start3A_36 = tpu.memref_slice %arg3[%add3A_6] : memref<65536xi32, #tpu.memory_space<hbm>> -> memref<512xi32, #tpu.memory_space<hbm>>
      tpu.enqueue_dma source(%dma_start3A_36 : memref<512xi32, #tpu.memory_space<hbm>>) target(%arg7 : memref<512xi32, #tpu.memory_space<vmem>>) target_semaphore(%run_scoped3A : memref<!tpu.dma_semaphore, #tpu.memory_space<semaphore_mem>>)
      %dma_wait3A_37 = tpu.memref_slice %arg3[%add3A_6] : memref<65536xi32, #tpu.memory_space<hbm>> -> memref<512xi32, #tpu.memory_space<hbm>>
      %dma_wait3A_38 = tpu.memref_slice %arg3[%add3A_6] : memref<65536xi32, #tpu.memory_space<hbm>> -> memref<512xi32, #tpu.memory_space<hbm>>
      tpu.wait_dma2 semaphore(%run_scoped3A : memref<!tpu.dma_semaphore, #tpu.memory_space<semaphore_mem>>) src(%dma_wait3A_38 : memref<512xi32, #tpu.memory_space<hbm>>) dst(%arg7 : memref<512xi32, #tpu.memory_space<vmem>>)
      tpu.yield
    }) : () -> ()
    %dma_start3A = arith.constant 0 : i32
    %dma_start3A_7 = arith.constant 0 : i32
    %dma_start3A_8 = tpu.memref_slice %arg6[%dma_start3A, %dma_start3A_7] : memref<1024x64xf32, #tpu.memory_space<vmem_shared>> -> memref<1024x64xf32, #tpu.memory_space<vmem_shared>>
    tpu.enqueue_indirect_dma source(%dma_start3A_8 : memref<1024x64xf32, #tpu.memory_space<vmem_shared>>) target(%arg8 : memref<512x64xf32, #tpu.memory_space<vmem>>) offsets(%arg7 : memref<512xi32, #tpu.memory_space<vmem>>) semaphore(%arg9 : memref<!tpu.dma_semaphore, #tpu.memory_space<semaphore_mem>>)
    %dma_wait3A = arith.constant 0 : i32
    %dma_wait3A_9 = arith.constant 0 : i32
    %dma_wait3A_10 = tpu.memref_slice %arg6[%dma_wait3A, %dma_wait3A_9] : memref<1024x64xf32, #tpu.memory_space<vmem_shared>> -> memref<1024x64xf32, #tpu.memory_space<vmem_shared>>
    tpu.wait_indirect_dma semaphore(%arg9 : memref<!tpu.dma_semaphore, #tpu.memory_space<semaphore_mem>>) src(%dma_wait3A_10 : memref<1024x64xf32, #tpu.memory_space<vmem_shared>>) dst(%arg8 : memref<512x64xf32, #tpu.memory_space<vmem>>)
    "tpu.region"() ({
      %run_scoped3A = tpu.sem_alloc : memref<!tpu.dma_semaphore, #tpu.memory_space<semaphore_mem>>
      %dma_start3A_35 = arith.constant 0 : i32
      %dma_start3A_36 = tpu.memref_slice %arg4[%add3A_6, %dma_start3A_35] : memref<65536x64xf32, #tpu.memory_space<hbm>> -> memref<512x64xf32, #tpu.memory_space<hbm>>
      %dma_start3A_37 = arith.constant 0 : i32
      %dma_start3A_38 = tpu.memref_slice %arg4[%add3A_6, %dma_start3A_37] : memref<65536x64xf32, #tpu.memory_space<hbm>> -> memref<512x64xf32, #tpu.memory_space<hbm>>
      tpu.enqueue_dma source(%arg8 : memref<512x64xf32, #tpu.memory_space<vmem>>) target(%dma_start3A_38 : memref<512x64xf32, #tpu.memory_space<hbm>>) target_semaphore(%run_scoped3A : memref<!tpu.dma_semaphore, #tpu.memory_space<semaphore_mem>>)
      %dma_wait3A_39 = arith.constant 0 : i32
      %dma_wait3A_40 = tpu.memref_slice %arg4[%add3A_6, %dma_wait3A_39] : memref<65536x64xf32, #tpu.memory_space<hbm>> -> memref<512x64xf32, #tpu.memory_space<hbm>>
      %dma_wait3A_41 = arith.constant 0 : i32
      %dma_wait3A_42 = tpu.memref_slice %arg4[%add3A_6, %dma_wait3A_41] : memref<65536x64xf32, #tpu.memory_space<hbm>> -> memref<512x64xf32, #tpu.memory_space<hbm>>
      tpu.wait_dma2 semaphore(%run_scoped3A : memref<!tpu.dma_semaphore, #tpu.memory_space<semaphore_mem>>) src(%arg8 : memref<512x64xf32, #tpu.memory_space<vmem>>) dst(%dma_wait3A_42 : memref<512x64xf32, #tpu.memory_space<hbm>>)
      tpu.yield
    }) : () -> ()
    %add3A_11 = arith.constant 512 : i32
    %add3A_12 = arith.addi %mul3A_4, %add3A_11 : i32
    "tpu.region"() ({
      %run_scoped3A = tpu.sem_alloc : memref<!tpu.dma_semaphore, #tpu.memory_space<semaphore_mem>>
      %dma_start3A_35 = tpu.memref_slice %arg3[%add3A_12] : memref<65536xi32, #tpu.memory_space<hbm>> -> memref<512xi32, #tpu.memory_space<hbm>>
      %dma_start3A_36 = tpu.memref_slice %arg3[%add3A_12] : memref<65536xi32, #tpu.memory_space<hbm>> -> memref<512xi32, #tpu.memory_space<hbm>>
      tpu.enqueue_dma source(%dma_start3A_36 : memref<512xi32, #tpu.memory_space<hbm>>) target(%arg7 : memref<512xi32, #tpu.memory_space<vmem>>) target_semaphore(%run_scoped3A : memref<!tpu.dma_semaphore, #tpu.memory_space<semaphore_mem>>)
      %dma_wait3A_37 = tpu.memref_slice %arg3[%add3A_12] : memref<65536xi32, #tpu.memory_space<hbm>> -> memref<512xi32, #tpu.memory_space<hbm>>
      %dma_wait3A_38 = tpu.memref_slice %arg3[%add3A_12] : memref<65536xi32, #tpu.memory_space<hbm>> -> memref<512xi32, #tpu.memory_space<hbm>>
      tpu.wait_dma2 semaphore(%run_scoped3A : memref<!tpu.dma_semaphore, #tpu.memory_space<semaphore_mem>>) src(%dma_wait3A_38 : memref<512xi32, #tpu.memory_space<hbm>>) dst(%arg7 : memref<512xi32, #tpu.memory_space<vmem>>)
      tpu.yield
    }) : () -> ()
    %dma_start3A_13 = arith.constant 0 : i32
    %dma_start3A_14 = arith.constant 0 : i32
    %dma_start3A_15 = tpu.memref_slice %arg6[%dma_start3A_13, %dma_start3A_14] : memref<1024x64xf32, #tpu.memory_space<vmem_shared>> -> memref<1024x64xf32, #tpu.memory_space<vmem_shared>>
    tpu.enqueue_indirect_dma source(%dma_start3A_15 : memref<1024x64xf32, #tpu.memory_space<vmem_shared>>) target(%arg8 : memref<512x64xf32, #tpu.memory_space<vmem>>) offsets(%arg7 : memref<512xi32, #tpu.memory_space<vmem>>) semaphore(%arg9 : memref<!tpu.dma_semaphore, #tpu.memory_space<semaphore_mem>>)
    %dma_wait3A_16 = arith.constant 0 : i32
    %dma_wait3A_17 = arith.constant 0 : i32
    %dma_wait3A_18 = tpu.memref_slice %arg6[%dma_wait3A_16, %dma_wait3A_17] : memref<1024x64xf32, #tpu.memory_space<vmem_shared>> -> memref<1024x64xf32, #tpu.memory_space<vmem_shared>>
    tpu.wait_indirect_dma semaphore(%arg9 : memref<!tpu.dma_semaphore, #tpu.memory_space<semaphore_mem>>) src(%dma_wait3A_18 : memref<1024x64xf32, #tpu.memory_space<vmem_shared>>) dst(%arg8 : memref<512x64xf32, #tpu.memory_space<vmem>>)
    "tpu.region"() ({
      %run_scoped3A = tpu.sem_alloc : memref<!tpu.dma_semaphore, #tpu.memory_space<semaphore_mem>>
      %dma_start3A_35 = arith.constant 0 : i32
      %dma_start3A_36 = tpu.memref_slice %arg4[%add3A_12, %dma_start3A_35] : memref<65536x64xf32, #tpu.memory_space<hbm>> -> memref<512x64xf32, #tpu.memory_space<hbm>>
      %dma_start3A_37 = arith.constant 0 : i32
      %dma_start3A_38 = tpu.memref_slice %arg4[%add3A_12, %dma_start3A_37] : memref<65536x64xf32, #tpu.memory_space<hbm>> -> memref<512x64xf32, #tpu.memory_space<hbm>>
      tpu.enqueue_dma source(%arg8 : memref<512x64xf32, #tpu.memory_space<vmem>>) target(%dma_start3A_38 : memref<512x64xf32, #tpu.memory_space<hbm>>) target_semaphore(%run_scoped3A : memref<!tpu.dma_semaphore, #tpu.memory_space<semaphore_mem>>)
      %dma_wait3A_39 = arith.constant 0 : i32
      %dma_wait3A_40 = tpu.memref_slice %arg4[%add3A_12, %dma_wait3A_39] : memref<65536x64xf32, #tpu.memory_space<hbm>> -> memref<512x64xf32, #tpu.memory_space<hbm>>
      %dma_wait3A_41 = arith.constant 0 : i32
      %dma_wait3A_42 = tpu.memref_slice %arg4[%add3A_12, %dma_wait3A_41] : memref<65536x64xf32, #tpu.memory_space<hbm>> -> memref<512x64xf32, #tpu.memory_space<hbm>>
      tpu.wait_dma2 semaphore(%run_scoped3A : memref<!tpu.dma_semaphore, #tpu.memory_space<semaphore_mem>>) src(%arg8 : memref<512x64xf32, #tpu.memory_space<vmem>>) dst(%dma_wait3A_42 : memref<512x64xf32, #tpu.memory_space<hbm>>)
      tpu.yield
    }) : () -> ()
    %add3A_19 = arith.constant 1024 : i32
    %add3A_20 = arith.addi %mul3A_4, %add3A_19 : i32
    "tpu.region"() ({
      %run_scoped3A = tpu.sem_alloc : memref<!tpu.dma_semaphore, #tpu.memory_space<semaphore_mem>>
      %dma_start3A_35 = tpu.memref_slice %arg3[%add3A_20] : memref<65536xi32, #tpu.memory_space<hbm>> -> memref<512xi32, #tpu.memory_space<hbm>>
      %dma_start3A_36 = tpu.memref_slice %arg3[%add3A_20] : memref<65536xi32, #tpu.memory_space<hbm>> -> memref<512xi32, #tpu.memory_space<hbm>>
      tpu.enqueue_dma source(%dma_start3A_36 : memref<512xi32, #tpu.memory_space<hbm>>) target(%arg7 : memref<512xi32, #tpu.memory_space<vmem>>) target_semaphore(%run_scoped3A : memref<!tpu.dma_semaphore, #tpu.memory_space<semaphore_mem>>)
      %dma_wait3A_37 = tpu.memref_slice %arg3[%add3A_20] : memref<65536xi32, #tpu.memory_space<hbm>> -> memref<512xi32, #tpu.memory_space<hbm>>
      %dma_wait3A_38 = tpu.memref_slice %arg3[%add3A_20] : memref<65536xi32, #tpu.memory_space<hbm>> -> memref<512xi32, #tpu.memory_space<hbm>>
      tpu.wait_dma2 semaphore(%run_scoped3A : memref<!tpu.dma_semaphore, #tpu.memory_space<semaphore_mem>>) src(%dma_wait3A_38 : memref<512xi32, #tpu.memory_space<hbm>>) dst(%arg7 : memref<512xi32, #tpu.memory_space<vmem>>)
      tpu.yield
    }) : () -> ()
    %dma_start3A_21 = arith.constant 0 : i32
    %dma_start3A_22 = arith.constant 0 : i32
    %dma_start3A_23 = tpu.memref_slice %arg6[%dma_start3A_21, %dma_start3A_22] : memref<1024x64xf32, #tpu.memory_space<vmem_shared>> -> memref<1024x64xf32, #tpu.memory_space<vmem_shared>>
    tpu.enqueue_indirect_dma source(%dma_start3A_23 : memref<1024x64xf32, #tpu.memory_space<vmem_shared>>) target(%arg8 : memref<512x64xf32, #tpu.memory_space<vmem>>) offsets(%arg7 : memref<512xi32, #tpu.memory_space<vmem>>) semaphore(%arg9 : memref<!tpu.dma_semaphore, #tpu.memory_space<semaphore_mem>>)
    %dma_wait3A_24 = arith.constant 0 : i32
    %dma_wait3A_25 = arith.constant 0 : i32
    %dma_wait3A_26 = tpu.memref_slice %arg6[%dma_wait3A_24, %dma_wait3A_25] : memref<1024x64xf32, #tpu.memory_space<vmem_shared>> -> memref<1024x64xf32, #tpu.memory_space<vmem_shared>>
    tpu.wait_indirect_dma semaphore(%arg9 : memref<!tpu.dma_semaphore, #tpu.memory_space<semaphore_mem>>) src(%dma_wait3A_26 : memref<1024x64xf32, #tpu.memory_space<vmem_shared>>) dst(%arg8 : memref<512x64xf32, #tpu.memory_space<vmem>>)
    "tpu.region"() ({
      %run_scoped3A = tpu.sem_alloc : memref<!tpu.dma_semaphore, #tpu.memory_space<semaphore_mem>>
      %dma_start3A_35 = arith.constant 0 : i32
      %dma_start3A_36 = tpu.memref_slice %arg4[%add3A_20, %dma_start3A_35] : memref<65536x64xf32, #tpu.memory_space<hbm>> -> memref<512x64xf32, #tpu.memory_space<hbm>>
      %dma_start3A_37 = arith.constant 0 : i32
      %dma_start3A_38 = tpu.memref_slice %arg4[%add3A_20, %dma_start3A_37] : memref<65536x64xf32, #tpu.memory_space<hbm>> -> memref<512x64xf32, #tpu.memory_space<hbm>>
      tpu.enqueue_dma source(%arg8 : memref<512x64xf32, #tpu.memory_space<vmem>>) target(%dma_start3A_38 : memref<512x64xf32, #tpu.memory_space<hbm>>) target_semaphore(%run_scoped3A : memref<!tpu.dma_semaphore, #tpu.memory_space<semaphore_mem>>)
      %dma_wait3A_39 = arith.constant 0 : i32
      %dma_wait3A_40 = tpu.memref_slice %arg4[%add3A_20, %dma_wait3A_39] : memref<65536x64xf32, #tpu.memory_space<hbm>> -> memref<512x64xf32, #tpu.memory_space<hbm>>
      %dma_wait3A_41 = arith.constant 0 : i32
      %dma_wait3A_42 = tpu.memref_slice %arg4[%add3A_20, %dma_wait3A_41] : memref<65536x64xf32, #tpu.memory_space<hbm>> -> memref<512x64xf32, #tpu.memory_space<hbm>>
      tpu.wait_dma2 semaphore(%run_scoped3A : memref<!tpu.dma_semaphore, #tpu.memory_space<semaphore_mem>>) src(%arg8 : memref<512x64xf32, #tpu.memory_space<vmem>>) dst(%dma_wait3A_42 : memref<512x64xf32, #tpu.memory_space<hbm>>)
      tpu.yield
    }) : () -> ()
    %add3A_27 = arith.constant 1536 : i32
    %add3A_28 = arith.addi %mul3A_4, %add3A_27 : i32
    "tpu.region"() ({
      %run_scoped3A = tpu.sem_alloc : memref<!tpu.dma_semaphore, #tpu.memory_space<semaphore_mem>>
      %dma_start3A_35 = tpu.memref_slice %arg3[%add3A_28] : memref<65536xi32, #tpu.memory_space<hbm>> -> memref<512xi32, #tpu.memory_space<hbm>>
      %dma_start3A_36 = tpu.memref_slice %arg3[%add3A_28] : memref<65536xi32, #tpu.memory_space<hbm>> -> memref<512xi32, #tpu.memory_space<hbm>>
      tpu.enqueue_dma source(%dma_start3A_36 : memref<512xi32, #tpu.memory_space<hbm>>) target(%arg7 : memref<512xi32, #tpu.memory_space<vmem>>) target_semaphore(%run_scoped3A : memref<!tpu.dma_semaphore, #tpu.memory_space<semaphore_mem>>)
      %dma_wait3A_37 = tpu.memref_slice %arg3[%add3A_28] : memref<65536xi32, #tpu.memory_space<hbm>> -> memref<512xi32, #tpu.memory_space<hbm>>
      %dma_wait3A_38 = tpu.memref_slice %arg3[%add3A_28] : memref<65536xi32, #tpu.memory_space<hbm>> -> memref<512xi32, #tpu.memory_space<hbm>>
      tpu.wait_dma2 semaphore(%run_scoped3A : memref<!tpu.dma_semaphore, #tpu.memory_space<semaphore_mem>>) src(%dma_wait3A_38 : memref<512xi32, #tpu.memory_space<hbm>>) dst(%arg7 : memref<512xi32, #tpu.memory_space<vmem>>)
      tpu.yield
    }) : () -> ()
    %dma_start3A_29 = arith.constant 0 : i32
    %dma_start3A_30 = arith.constant 0 : i32
    %dma_start3A_31 = tpu.memref_slice %arg6[%dma_start3A_29, %dma_start3A_30] : memref<1024x64xf32, #tpu.memory_space<vmem_shared>> -> memref<1024x64xf32, #tpu.memory_space<vmem_shared>>
    tpu.enqueue_indirect_dma source(%dma_start3A_31 : memref<1024x64xf32, #tpu.memory_space<vmem_shared>>) target(%arg8 : memref<512x64xf32, #tpu.memory_space<vmem>>) offsets(%arg7 : memref<512xi32, #tpu.memory_space<vmem>>) semaphore(%arg9 : memref<!tpu.dma_semaphore, #tpu.memory_space<semaphore_mem>>)
    %dma_wait3A_32 = arith.constant 0 : i32
    %dma_wait3A_33 = arith.constant 0 : i32
    %dma_wait3A_34 = tpu.memref_slice %arg6[%dma_wait3A_32, %dma_wait3A_33] : memref<1024x64xf32, #tpu.memory_space<vmem_shared>> -> memref<1024x64xf32, #tpu.memory_space<vmem_shared>>
    tpu.wait_indirect_dma semaphore(%arg9 : memref<!tpu.dma_semaphore, #tpu.memory_space<semaphore_mem>>) src(%dma_wait3A_34 : memref<1024x64xf32, #tpu.memory_space<vmem_shared>>) dst(%arg8 : memref<512x64xf32, #tpu.memory_space<vmem>>)
    "tpu.region"() ({
      %run_scoped3A = tpu.sem_alloc : memref<!tpu.dma_semaphore, #tpu.memory_space<semaphore_mem>>
      %dma_start3A_35 = arith.constant 0 : i32
      %dma_start3A_36 = tpu.memref_slice %arg4[%add3A_28, %dma_start3A_35] : memref<65536x64xf32, #tpu.memory_space<hbm>> -> memref<512x64xf32, #tpu.memory_space<hbm>>
      %dma_start3A_37 = arith.constant 0 : i32
      %dma_start3A_38 = tpu.memref_slice %arg4[%add3A_28, %dma_start3A_37] : memref<65536x64xf32, #tpu.memory_space<hbm>> -> memref<512x64xf32, #tpu.memory_space<hbm>>
      tpu.enqueue_dma source(%arg8 : memref<512x64xf32, #tpu.memory_space<vmem>>) target(%dma_start3A_38 : memref<512x64xf32, #tpu.memory_space<hbm>>) target_semaphore(%run_scoped3A : memref<!tpu.dma_semaphore, #tpu.memory_space<semaphore_mem>>)
      %dma_wait3A_39 = arith.constant 0 : i32
      %dma_wait3A_40 = tpu.memref_slice %arg4[%add3A_28, %dma_wait3A_39] : memref<65536x64xf32, #tpu.memory_space<hbm>> -> memref<512x64xf32, #tpu.memory_space<hbm>>
      %dma_wait3A_41 = arith.constant 0 : i32
      %dma_wait3A_42 = tpu.memref_slice %arg4[%add3A_28, %dma_wait3A_41] : memref<65536x64xf32, #tpu.memory_space<hbm>> -> memref<512x64xf32, #tpu.memory_space<hbm>>
      tpu.wait_dma2 semaphore(%run_scoped3A : memref<!tpu.dma_semaphore, #tpu.memory_space<semaphore_mem>>) src(%arg8 : memref<512x64xf32, #tpu.memory_space<vmem>>) dst(%dma_wait3A_42 : memref<512x64xf32, #tpu.memory_space<hbm>>)
      tpu.yield
    }) : () -> ()
    return
  }
}

module attributes {stable_mosaic.version = 14 : i64} {
  func.func @_tc_body(%arg0: i32, %arg1: memref<4096x2xi32, #tpu.memory_space<vmem>>, %arg2: memref<2x64xf32, #tpu.memory_space<vmem>>, %arg3: memref<1x64xf32, #tpu.memory_space<vmem>>, %arg4: memref<1x64xf32, #tpu.memory_space<vmem>>, %arg5: memref<1x64xf32, #tpu.memory_space<vmem>>, %arg6: memref<64x64xf32, #tpu.memory_space<vmem>>, %arg7: memref<1x64xf32, #tpu.memory_space<vmem>>, %arg8: memref<64x1024xf32, #tpu.memory_space<vmem>>, %arg9: memref<64x1024xbf16, #tpu.memory_space<vmem>>, %arg10: memref<1x1024xf32, #tpu.memory_space<vmem>>, %arg11: memref<4096x1xi32, #tpu.memory_space<vmem>>, %arg12: memref<32x128xi32, #tpu.memory_space<vmem>>, %arg13: memref<1x1xf32, #tpu.memory_space<vmem>>, %arg14: memref<1x1024xf32, #tpu.memory_space<vmem>>) attributes {dimension_semantics = [#tpu.dimension_semantics<arbitrary>], iteration_bounds = array<i64: 16>, scalar_prefetch = 0 : i64, scratch_operands = 1 : i64, tpu.core_type = #tpu.core_type<tc>, window_params = [{transform_indices = @transform_0, window_bounds = array<i64: 4096, 2>}, {pipeline_mode = #tpu.pipeline_mode<synchronous>, transform_indices = @transform_1, window_bounds = array<i64: 2, 64>}, {pipeline_mode = #tpu.pipeline_mode<synchronous>, transform_indices = @transform_2, window_bounds = array<i64: 1, 64>}, {pipeline_mode = #tpu.pipeline_mode<synchronous>, transform_indices = @transform_3, window_bounds = array<i64: 1, 64>}, {pipeline_mode = #tpu.pipeline_mode<synchronous>, transform_indices = @transform_4, window_bounds = array<i64: 1, 64>}, {pipeline_mode = #tpu.pipeline_mode<synchronous>, transform_indices = @transform_5, window_bounds = array<i64: 64, 64>}, {pipeline_mode = #tpu.pipeline_mode<synchronous>, transform_indices = @transform_6, window_bounds = array<i64: 1, 64>}, {pipeline_mode = #tpu.pipeline_mode<synchronous>, transform_indices = @transform_7, window_bounds = array<i64: 64, 1024>}, {pipeline_mode = #tpu.pipeline_mode<synchronous>, transform_indices = @transform_8, window_bounds = array<i64: 64, 1024>}, {pipeline_mode = #tpu.pipeline_mode<synchronous>, transform_indices = @transform_9, window_bounds = array<i64: 1, 1024>}, {transform_indices = @transform_10, window_bounds = array<i64: 4096, 1>}, {transform_indices = @transform_11, window_bounds = array<i64: 32, 128>}, {pipeline_mode = #tpu.pipeline_mode<synchronous>, transform_indices = @transform_12, window_bounds = array<i64: 1, 1>}]} {
    %eq3A = arith.constant 0 : i32
    %eq3A_0 = arith.cmpi eq, %arg0, %eq3A : i32
    %convert_element_type3A = arith.extui %eq3A_0 : i1 to i32
    %cond3A = arith.constant 0 : i32
    %cond3A_1 = arith.cmpi ne, %convert_element_type3A, %cond3A : i32
    scf.if %cond3A_1 {
      %get3A_126 = arith.constant 0 : index
      %get3A_127 = arith.constant 0 : index
      %get3A_128 = vector.load %arg8[%get3A_126, %get3A_127] : memref<64x1024xf32, #tpu.memory_space<vmem>>, vector<64x1024xf32>
      %mul3A_129 = arith.mulf %get3A_128, %get3A_128 : vector<64x1024xf32>
      %reduce_sum3A_130 = arith.constant dense<0.000000e+00> : vector<1024xf32>
      %reduce_sum3A_131 = vector.multi_reduction <add>, %mul3A_129, %reduce_sum3A_130 [0] : vector<64x1024xf32> to vector<1024xf32>
      %broadcast_in_dim3A_132 = vector.shape_cast %reduce_sum3A_131 : vector<1024xf32> to vector<1x1024xf32>
      %swap3A_133 = arith.constant 0 : index
      %swap3A_134 = arith.constant 0 : index
      %swap3A_135 = vector.load %arg14[%swap3A_133, %swap3A_134] : memref<1x1024xf32, #tpu.memory_space<vmem>>, vector<1x1024xf32>
      tpu.vector_store %arg14[%swap3A_133, %swap3A_134], %broadcast_in_dim3A_132 {strides = array<i32>} : memref<1x1024xf32, #tpu.memory_space<vmem>>, vector<1x1024xf32>,
    } else {
    }
    %get3A = arith.constant 0 : index
    %get3A_2 = arith.constant 0 : index
    %get3A_3 = vector.load %arg1[%get3A, %get3A_2] : memref<4096x2xi32, #tpu.memory_space<vmem>>, vector<4096x2xi32>
    %convert_element_type3A_4 = arith.sitofp %get3A_3 : vector<4096x2xi32> to vector<4096x2xf32>
    %div3A = arith.constant 5.110000e+02 : f32
    %div3A_5 = vector.broadcast %div3A : f32 to vector<4096x2xf32>
    %div3A_6 = arith.divf %convert_element_type3A_4, %div3A_5 : vector<4096x2xf32>
    %mul3A = arith.constant 2.000000e+00 : f32
    %mul3A_7 = vector.broadcast %mul3A : f32 to vector<4096x2xf32>
    %mul3A_8 = arith.mulf %div3A_6, %mul3A_7 : vector<4096x2xf32>
    %sub3A = arith.constant 1.000000e+00 : f32
    %sub3A_9 = vector.broadcast %sub3A : f32 to vector<4096x2xf32>
    %sub3A_10 = arith.subf %mul3A_8, %sub3A_9 : vector<4096x2xf32>
    %convert_element_type3A_11 = arith.truncf %sub3A_10 : vector<4096x2xf32> to vector<4096x2xbf16>
    %get3A_12 = arith.constant 0 : index
    %get3A_13 = arith.constant 0 : index
    %get3A_14 = vector.load %arg2[%get3A_12, %get3A_13] : memref<2x64xf32, #tpu.memory_space<vmem>>, vector<2x64xf32>
    %convert_element_type3A_15 = arith.truncf %get3A_14 : vector<2x64xf32> to vector<2x64xbf16>
    %dot_general3A = arith.constant dense<0.000000e+00> : vector<4096x64xf32>
    %dot_general3A_16 = tpu.matmul %convert_element_type3A_11, %convert_element_type3A_15, %dot_general3A {dimension_numbers = #tpu.dot_dimension_numbers<[1], [0], [0], [1], [0, 0, 1, 1], [], []>, transpose_lhs_hint = false} : vector<4096x2xbf16>, vector<2x64xbf16>, vector<4096x64xf32> -> vector<4096x64xf32>
    %get3A_17 = arith.constant 0 : index
    %get3A_18 = arith.constant 0 : index
    %get3A_19 = vector.load %arg3[%get3A_17, %get3A_18] : memref<1x64xf32, #tpu.memory_space<vmem>>, vector<1x64xf32>
    %add3A = vector.broadcast %get3A_19 : vector<1x64xf32> to vector<4096x64xf32>
    %add3A_20 = arith.addf %dot_general3A_16, %add3A : vector<4096x64xf32>
    %reduce_sum3A = arith.constant dense<0.000000e+00> : vector<4096xf32>
    %reduce_sum3A_21 = vector.multi_reduction <add>, %add3A_20, %reduce_sum3A [1] : vector<4096x64xf32> to vector<4096xf32>
    %broadcast_in_dim3A = vector.shape_cast %reduce_sum3A_21 : vector<4096xf32> to vector<4096x1xf32>
    %div3A_22 = arith.constant 6.400000e+01 : f32
    %div3A_23 = vector.broadcast %div3A_22 : f32 to vector<4096x1xf32>
    %div3A_24 = arith.divf %broadcast_in_dim3A, %div3A_23 : vector<4096x1xf32>
    %sub3A_25 = vector.broadcast %div3A_24 : vector<4096x1xf32> to vector<4096x64xf32>
    %sub3A_26 = arith.subf %add3A_20, %sub3A_25 : vector<4096x64xf32>
    %integer_pow3A = arith.mulf %sub3A_26, %sub3A_26 : vector<4096x64xf32>
    %reduce_sum3A_27 = arith.constant dense<0.000000e+00> : vector<4096xf32>
    %reduce_sum3A_28 = vector.multi_reduction <add>, %integer_pow3A, %reduce_sum3A_27 [1] : vector<4096x64xf32> to vector<4096xf32>
    %broadcast_in_dim3A_29 = vector.shape_cast %reduce_sum3A_28 : vector<4096xf32> to vector<4096x1xf32>
    %div3A_30 = arith.constant 6.400000e+01 : f32
    %div3A_31 = vector.broadcast %div3A_30 : f32 to vector<4096x1xf32>
    %div3A_32 = arith.divf %broadcast_in_dim3A_29, %div3A_31 : vector<4096x1xf32>
    %sub3A_33 = vector.broadcast %div3A_24 : vector<4096x1xf32> to vector<4096x64xf32>
    %sub3A_34 = arith.subf %add3A_20, %sub3A_33 : vector<4096x64xf32>
    %add3A_35 = arith.constant 9.99999974E-6 : f32
    %add3A_36 = vector.broadcast %add3A_35 : f32 to vector<4096x1xf32>
    %add3A_37 = arith.addf %div3A_32, %add3A_36 : vector<4096x1xf32>
    %sqrt3A = math.sqrt %add3A_37 : vector<4096x1xf32>
    %div3A_38 = vector.broadcast %sqrt3A : vector<4096x1xf32> to vector<4096x64xf32>
    %div3A_39 = arith.divf %sub3A_34, %div3A_38 : vector<4096x64xf32>
    %get3A_40 = arith.constant 0 : index
    %get3A_41 = arith.constant 0 : index
    %get3A_42 = vector.load %arg4[%get3A_40, %get3A_41] : memref<1x64xf32, #tpu.memory_space<vmem>>, vector<1x64xf32>
    %mul3A_43 = vector.broadcast %get3A_42 : vector<1x64xf32> to vector<4096x64xf32>
    %mul3A_44 = arith.mulf %div3A_39, %mul3A_43 : vector<4096x64xf32>
    %get3A_45 = arith.constant 0 : index
    %get3A_46 = arith.constant 0 : index
    %get3A_47 = vector.load %arg5[%get3A_45, %get3A_46] : memref<1x64xf32, #tpu.memory_space<vmem>>, vector<1x64xf32>
    %add3A_48 = vector.broadcast %get3A_47 : vector<1x64xf32> to vector<4096x64xf32>
    %add3A_49 = arith.addf %mul3A_44, %add3A_48 : vector<4096x64xf32>
    %max3A = arith.constant 0.000000e+00 : f32
    %max3A_50 = vector.broadcast %max3A : f32 to vector<4096x64xf32>
    %max3A_51 = arith.maximumf %add3A_49, %max3A_50 : vector<4096x64xf32>
    %convert_element_type3A_52 = arith.truncf %max3A_51 : vector<4096x64xf32> to vector<4096x64xbf16>
    %get3A_53 = arith.constant 0 : index
    %get3A_54 = arith.constant 0 : index
    %get3A_55 = vector.load %arg6[%get3A_53, %get3A_54] : memref<64x64xf32, #tpu.memory_space<vmem>>, vector<64x64xf32>
    %convert_element_type3A_56 = arith.truncf %get3A_55 : vector<64x64xf32> to vector<64x64xbf16>
    %dot_general3A_57 = arith.constant dense<0.000000e+00> : vector<4096x64xf32>
    %dot_general3A_58 = tpu.matmul %convert_element_type3A_52, %convert_element_type3A_56, %dot_general3A_57 {dimension_numbers = #tpu.dot_dimension_numbers<[1], [0], [0], [1], [0, 0, 1, 1], [], []>, transpose_lhs_hint = false} : vector<4096x64xbf16>, vector<64x64xbf16>, vector<4096x64xf32> -> vector<4096x64xf32>
    %get3A_59 = arith.constant 0 : index
    %get3A_60 = arith.constant 0 : index
    %get3A_61 = vector.load %arg7[%get3A_59, %get3A_60] : memref<1x64xf32, #tpu.memory_space<vmem>>, vector<1x64xf32>
    %add3A_62 = vector.broadcast %get3A_61 : vector<1x64xf32> to vector<4096x64xf32>
    %add3A_63 = arith.addf %dot_general3A_58, %add3A_62 : vector<4096x64xf32>
    %mul3A_64 = arith.mulf %add3A_63, %add3A_63 : vector<4096x64xf32>
    %reduce_sum3A_65 = arith.constant dense<0.000000e+00> : vector<4096xf32>
    %reduce_sum3A_66 = vector.multi_reduction <add>, %mul3A_64, %reduce_sum3A_65 [1] : vector<4096x64xf32> to vector<4096xf32>
    %broadcast_in_dim3A_67 = vector.shape_cast %reduce_sum3A_66 : vector<4096xf32> to vector<4096x1xf32>
    %get3A_68 = arith.constant 0 : index
    %get3A_69 = arith.constant 0 : index
    %get3A_70 = vector.load %arg14[%get3A_68, %get3A_69] : memref<1x1024xf32, #tpu.memory_space<vmem>>, vector<1x1024xf32>
    %mul3A_71 = arith.constant 2.000000e+00 : f32
    %mul3A_72 = vector.broadcast %mul3A_71 : f32 to vector<4096x64xf32>
    %mul3A_73 = arith.mulf %mul3A_72, %add3A_63 : vector<4096x64xf32>
    %convert_element_type3A_74 = arith.truncf %mul3A_73 : vector<4096x64xf32> to vector<4096x64xbf16>
    %get3A_75 = arith.constant 0 : index
    %get3A_76 = arith.constant 0 : index
    %get3A_77 = vector.load %arg9[%get3A_75, %get3A_76] : memref<64x1024xbf16, #tpu.memory_space<vmem>>, vector<64x1024xbf16>
    %dot_general3A_78 = arith.constant dense<0.000000e+00> : vector<4096x1024xf32>
    %dot_general3A_79 = tpu.matmul %convert_element_type3A_74, %get3A_77, %dot_general3A_78 {dimension_numbers = #tpu.dot_dimension_numbers<[1], [0], [0], [1], [0, 0, 1, 1], [], []>, transpose_lhs_hint = false} : vector<4096x64xbf16>, vector<64x1024xbf16>, vector<4096x1024xf32> -> vector<4096x1024xf32>
    %sub3A_80 = vector.broadcast %broadcast_in_dim3A_67 : vector<4096x1xf32> to vector<4096x1024xf32>
    %sub3A_81 = arith.subf %sub3A_80, %dot_general3A_79 : vector<4096x1024xf32>
    %add3A_82 = vector.broadcast %get3A_70 : vector<1x1024xf32> to vector<4096x1024xf32>
    %add3A_83 = arith.addf %sub3A_81, %add3A_82 : vector<4096x1024xf32>
    %reduce_min3A = arith.constant dense<0x7F800000> : vector<4096xf32>
    %reduce_min3A_84 = vector.multi_reduction <minimumf>, %add3A_83, %reduce_min3A [1] : vector<4096x1024xf32> to vector<4096xf32>
    %broadcast_in_dim3A_85 = vector.shape_cast %reduce_min3A_84 : vector<4096xf32> to vector<4096x1xf32>
    %eq3A_86 = vector.broadcast %broadcast_in_dim3A_85 : vector<4096x1xf32> to vector<4096x1024xf32>
    %eq3A_87 = arith.cmpf oeq, %add3A_83, %eq3A_86 : vector<4096x1024xf32>
    %get3A_88 = arith.constant 0 : index
    %get3A_89 = arith.constant 0 : index
    %get3A_90 = vector.load %arg10[%get3A_88, %get3A_89] : memref<1x1024xf32, #tpu.memory_space<vmem>>, vector<1x1024xf32>
    %jit3A = arith.constant 1.024000e+03 : f32
    %broadcast_in_dim3A_91 = vector.shape_cast %get3A_90 : vector<1x1024xf32> to vector<1x1024xf32>
    %broadcast_in_dim3A_92 = vector.broadcast %broadcast_in_dim3A_91 : vector<1x1024xf32> to vector<4096x1024xf32>
    %broadcast_in_dim3A_93 = vector.broadcast %jit3A : f32 to vector<4096x1024xf32>
    %select_n3A = arith.select %eq3A_87, %broadcast_in_dim3A_92, %broadcast_in_dim3A_93 : vector<4096x1024xi1>, vector<4096x1024xf32>
    %reduce_min3A_94 = arith.constant dense<0x7F800000> : vector<4096xf32>
    %reduce_min3A_95 = vector.multi_reduction <minimumf>, %select_n3A, %reduce_min3A_94 [1] : vector<4096x1024xf32> to vector<4096xf32>
    %broadcast_in_dim3A_96 = vector.shape_cast %reduce_min3A_95 : vector<4096xf32> to vector<4096x1xf32>
    %convert_element_type3A_97 = arith.fptosi %broadcast_in_dim3A_96 : vector<4096x1xf32> to vector<4096x1xi32>
    %swap3A = arith.constant 0 : index
    %swap3A_98 = arith.constant 0 : index
    %swap3A_99 = vector.load %arg11[%swap3A, %swap3A_98] : memref<4096x1xi32, #tpu.memory_space<vmem>>, vector<4096x1xi32>
    tpu.vector_store %arg11[%swap3A, %swap3A_98], %convert_element_type3A_97 {strides = array<i32>} : memref<4096x1xi32, #tpu.memory_space<vmem>>, vector<4096x1xi32>,
    %reshape3A = vector.shape_cast %convert_element_type3A_97 : vector<4096x1xi32> to vector<32x128xi32>
    %swap3A_100 = arith.constant 0 : index
    %swap3A_101 = arith.constant 0 : index
    %swap3A_102 = vector.load %arg12[%swap3A_100, %swap3A_101] : memref<32x128xi32, #tpu.memory_space<vmem>>, vector<32x128xi32>
    tpu.vector_store %arg12[%swap3A_100, %swap3A_101], %reshape3A {strides = array<i32>} : memref<32x128xi32, #tpu.memory_space<vmem>>, vector<32x128xi32>,
    %eq3A_103 = arith.constant 0 : i32
    %eq3A_104 = arith.cmpi eq, %arg0, %eq3A_103 : i32
    %convert_element_type3A_105 = arith.extui %eq3A_104 : i1 to i32
    %cond3A_106 = arith.constant 0 : i32
    %cond3A_107 = arith.cmpi ne, %convert_element_type3A_105, %cond3A_106 : i32
    scf.if %cond3A_107 {
      %broadcast_in_dim3A_126 = arith.constant 0.000000e+00 : f32
      %broadcast_in_dim3A_127 = vector.broadcast %broadcast_in_dim3A_126 : f32 to vector<1x1xf32>
      %swap3A_128 = arith.constant 0 : index
      %swap3A_129 = arith.constant 0 : index
      %swap3A_130 = vector.load %arg13[%swap3A_128, %swap3A_129] : memref<1x1xf32, #tpu.memory_space<vmem>>, vector<1x1xf32>
      tpu.vector_store %arg13[%swap3A_128, %swap3A_129], %broadcast_in_dim3A_127 {strides = array<i32>} : memref<1x1xf32, #tpu.memory_space<vmem>>, vector<1x1xf32>,
    } else {
    }
    %get3A_108 = arith.constant 0 : index
    %get3A_109 = arith.constant 0 : index
    %get3A_110 = vector.load %arg13[%get3A_108, %get3A_109] : memref<1x1xf32, #tpu.memory_space<vmem>>, vector<1x1xf32>
    %reduce_sum3A_111 = vector.shape_cast %broadcast_in_dim3A_85 : vector<4096x1xf32> to vector<1x4096x1xf32>
    %reduce_sum3A_112 = arith.constant dense<0.000000e+00> : vector<1xf32>
    %reduce_sum3A_113 = vector.multi_reduction <add>, %reduce_sum3A_111, %reduce_sum3A_112 [1, 2] : vector<1x4096x1xf32> to vector<1xf32>
    %reduce_sum3A_114 = vector.shape_cast %reduce_sum3A_113 : vector<1xf32> to vector<1x1x1xf32>
    %reduce_sum3A_115 = vector.extract %reduce_sum3A_114[0, 0, 0] : f32 from vector<1x1x1xf32>
    %reshape3A_116 = vector.broadcast %reduce_sum3A_115 : f32 to vector<1x1xf32>
    %add3A_117 = arith.addf %get3A_110, %reshape3A_116 : vector<1x1xf32>
    %swap3A_118 = arith.constant 0 : index
    %swap3A_119 = arith.constant 0 : index
    %swap3A_120 = vector.load %arg13[%swap3A_118, %swap3A_119] : memref<1x1xf32, #tpu.memory_space<vmem>>, vector<1x1xf32>
    tpu.vector_store %arg13[%swap3A_118, %swap3A_119], %add3A_117 {strides = array<i32>} : memref<1x1xf32, #tpu.memory_space<vmem>>, vector<1x1xf32>,
    %eq3A_121 = arith.constant 15 : i32
    %eq3A_122 = arith.cmpi eq, %arg0, %eq3A_121 : i32
    %convert_element_type3A_123 = arith.extui %eq3A_122 : i1 to i32
    %cond3A_124 = arith.constant 0 : i32
    %cond3A_125 = arith.cmpi ne, %convert_element_type3A_123, %cond3A_124 : i32
    scf.if %cond3A_125 {
      %get3A_126 = arith.constant 0 : index
      %get3A_127 = arith.constant 0 : index
      %get3A_128 = vector.load %arg13[%get3A_126, %get3A_127] : memref<1x1xf32, #tpu.memory_space<vmem>>, vector<1x1xf32>
      %mul3A_129 = arith.constant 2.98023224E-7 : f32
      %mul3A_130 = vector.broadcast %mul3A_129 : f32 to vector<1x1xf32>
      %mul3A_131 = arith.mulf %get3A_128, %mul3A_130 : vector<1x1xf32>
      %swap3A_132 = arith.constant 0 : index
      %swap3A_133 = arith.constant 0 : index
      %swap3A_134 = vector.load %arg13[%swap3A_132, %swap3A_133] : memref<1x1xf32, #tpu.memory_space<vmem>>, vector<1x1xf32>
      tpu.vector_store %arg13[%swap3A_132, %swap3A_133], %mul3A_131 {strides = array<i32>} : memref<1x1xf32, #tpu.memory_space<vmem>>, vector<1x1xf32>,
    } else {
    }
    return
  }
  func.func @transform_0(%arg0: i32) -> (i32, i32) {
    %c0_i32 = arith.constant 0 : i32
    %c0_i32_0 = arith.constant 0 : i32
    return %arg0, %c0_i32 : i32, i32
  }
  func.func @transform_1(%arg0: i32) -> (i32, i32) {
    %c0_i32 = arith.constant 0 : i32
    %c0_i32_0 = arith.constant 0 : i32
    %c0_i32_1 = arith.constant 0 : i32
    return %c0_i32, %c0_i32_0 : i32, i32
  }
  func.func @transform_2(%arg0: i32) -> (i32, i32) {
    %c0_i32 = arith.constant 0 : i32
    %c0_i32_0 = arith.constant 0 : i32
    %c0_i32_1 = arith.constant 0 : i32
    return %c0_i32, %c0_i32_0 : i32, i32
  }
  func.func @transform_3(%arg0: i32) -> (i32, i32) {
    %c0_i32 = arith.constant 0 : i32
    %c0_i32_0 = arith.constant 0 : i32
    %c0_i32_1 = arith.constant 0 : i32
    return %c0_i32, %c0_i32_0 : i32, i32
  }
  func.func @transform_4(%arg0: i32) -> (i32, i32) {
    %c0_i32 = arith.constant 0 : i32
    %c0_i32_0 = arith.constant 0 : i32
    %c0_i32_1 = arith.constant 0 : i32
    return %c0_i32, %c0_i32_0 : i32, i32
  }
  func.func @transform_5(%arg0: i32) -> (i32, i32) {
    %c0_i32 = arith.constant 0 : i32
    %c0_i32_0 = arith.constant 0 : i32
    %c0_i32_1 = arith.constant 0 : i32
    return %c0_i32, %c0_i32_0 : i32, i32
  }
  func.func @transform_6(%arg0: i32) -> (i32, i32) {
    %c0_i32 = arith.constant 0 : i32
    %c0_i32_0 = arith.constant 0 : i32
    %c0_i32_1 = arith.constant 0 : i32
    return %c0_i32, %c0_i32_0 : i32, i32
  }
  func.func @transform_7(%arg0: i32) -> (i32, i32) {
    %c0_i32 = arith.constant 0 : i32
    %c0_i32_0 = arith.constant 0 : i32
    %c0_i32_1 = arith.constant 0 : i32
    return %c0_i32, %c0_i32_0 : i32, i32
  }
  func.func @transform_8(%arg0: i32) -> (i32, i32) {
    %c0_i32 = arith.constant 0 : i32
    %c0_i32_0 = arith.constant 0 : i32
    %c0_i32_1 = arith.constant 0 : i32
    return %c0_i32, %c0_i32_0 : i32, i32
  }
  func.func @transform_9(%arg0: i32) -> (i32, i32) {
    %c0_i32 = arith.constant 0 : i32
    %c0_i32_0 = arith.constant 0 : i32
    %c0_i32_1 = arith.constant 0 : i32
    return %c0_i32, %c0_i32_0 : i32, i32
  }
  func.func @transform_10(%arg0: i32) -> (i32, i32) {
    %c0_i32 = arith.constant 0 : i32
    %c0_i32_0 = arith.constant 0 : i32
    return %arg0, %c0_i32 : i32, i32
  }
  func.func @transform_11(%arg0: i32) -> (i32, i32) {
    %c0_i32 = arith.constant 0 : i32
    %c0_i32_0 = arith.constant 0 : i32
    return %arg0, %c0_i32 : i32, i32
  }
  func.func @transform_12(%arg0: i32) -> (i32, i32) {
    %c0_i32 = arith.constant 0 : i32
    %c0_i32_0 = arith.constant 0 : i32
    %c0_i32_1 = arith.constant 0 : i32
    return %c0_i32, %c0_i32_0 : i32, i32
  }
}

</mosaic_0001>

<sc_bundles>
// kernel: kernel.4.cloned.1.call-start
scs
__scs_entry_jumppad:
0x0: {  	(pc) =	sbr.rel $0x88, $3  }
0x1: {  	(tag) =	ssettag $0x0;
	lr =	simm.s32 $0x1  }
0x2: {  	[smem:$0x3F99] =	sst lr;
	_ =	strace $0xD0000000  }
0x3: {  	_ = 	snop  }
0x4: {  	_ = 	snop  }
0x5: {  	_ = 	snop  }
0x6: {  	_ = 	snop  }
0x7: {  	_ = 	snop  }
__scs_overlays_trampoline_lowered:
0x8: {  	[smem:$0x3FA8] =	sst s0  }
0x9: {  	[smem:$0x3FA9] =	sst s1  }
0xa: {  	[smem:$0x3FAA] =	sst s2  }
0xb: {  	[smem:$0x3FAB] =	sst s3  }
0xc: {  	[smem:$0x3FAC] =	sst s4  }
0xd: {  	[smem:$0x3FAD] =	sst s5  }
0xe: {  	[smem:$0x3FAE] =	sst s6  }
0xf: {  	[smem:$0x3FAF] =	sst s7  }
0x10: {  	[smem:$0x3FB0] =	sst s8  }
0x11: {  	[smem:$0x3FB1] =	sst s9;
	s0 =	simm.s32 @!p0 $0x0  }
0x12: {  	s1 =	sld [smem:$0x3F97];
	s0 =	simm.s32 @p0 $0x1  }
0x13: {  	[smem:$0x3FB2] =	sst s0;
	s0 =	simm.s32 @!p1 $0x0  }
0x14: {  	s2 =	sld [smem:$0x3F96];
	s0 =	simm.s32 @p1 $0x1  }
0x15: {  	[smem:$0x3FB3] =	sst s0;
	s0 =	simm.s32 @!p2 $0x0  }
0x16: {  	s3 =	sld [smem:$0x3FDB];
	s0 =	simm.s32 @p2 $0x1  }
0x17: {  	s4 =	simm.s32 $0x1BF5;
	[smem:$0x3FB5] =	sst s0  }
0x18: {  	s0 =	sld [smem:$0x3F98];
	_ =	swait.ge [sflag:s4], $0x0  }
0x19: {  	s7 =	sld [smem:$0x3F99]  }
0x1a: {  	s8 =	sadd.s32 $0xFFFFE003, lr  }
0x1b: {  	s9 =	sadd.s32 $0xFFFFFEF7, lr;
	s5 =	simm.s32 $0xFFFFFFFF;
	p2 =	slt.u32 s8, $0xFFFFF086  }
0x1c: {  	p1 =	slt.u32 s9, $0xF7A;
	s5 =	simm.s32 @!p2 $0x0  }
0x1d: {  	s5 =	simm.s32 @p1 $0x1;
	p0 =	seq.s32 s7, s2  }
0x1e: {  	s7 =	smul.u32 @!p0 $0xF7A, s2;
	p2 =	seq.s32 @!p0 s5, $0x0  }
0x1f: {  	s9 =	smul.u32 $0xF7A, s1;
	s8 =	simm.s32 @!p0 $0x1BF5;
	p2 =	por !p2, p0  }
0x20: {  	[sflag:s8] =	ssyncset.s32 @!p0 $0xFFFFF086;
	s6 =	sadd.s32 @!p0 s3, s7;
	s7 =	simm.s32 @!p0 $0x108  }
0x21: {  	s3 =	sadd.s32 s3, s9;
	s6 =	sadd.s32 @!p0 $0x88, s6;
	s7 =	simm.s32 @p2 $0x1082  }
0x22: {  	[simem:s7], [sflag:s8] =	dma.local @!p0 [hbm:s6], $0xF7A  }
0x23: {  	s9 =	sor.u32 $0xD0000000, s2;
	s6 =	simm.s32 $0x108;
	_ =	swait.ge @!p0 [sflag:s8], $0x0  }
0x24: {  	s3 =	sadd.s32 $0x88, s3;
	s6 =	simm.s32 @!p1 $0x1082;
	[sflag:s4] =	ssyncset.s32 $0xFFFFF086  }
0x25: {  	[simem:s6], [sflag:s4] =	dma.local [hbm:s3], $0xF7A  }
0x26: {  	[smem:$0x3F99] =	sst s1;
	(tag) =	ssettag s2;
	_ =	strace s9  }
0x27: {  	s1 =	sld [smem:$0x3FA9]  }
0x28: {  	s2 =	sld [smem:$0x3FAA]  }
0x29: {  	s4 =	sld [smem:$0x3FAC]  }
0x2a: {  	p0 =	seq.s32 s5, $0x0;
	s5 =	sld [smem:$0x3FAD]  }
0x2b: {  	s6 =	sld [smem:$0x3FAE]  }
0x2c: {  	s7 =	sld [smem:$0x3FAF]  }
0x2d: {  	s3 =	simm.s32 $0x108;
	s8 =	sld [smem:$0x3FB0]  }
0x2e: {  	s3 =	simm.s32 @!p0 $0x1082;
	s9 =	sld [smem:$0x3FB1]  }
0x2f: {  	lr =	sadd.s32 s0, s3;
	s0 =	sld [smem:$0x3FA8]  }
0x30: {  	s3 =	sld [smem:$0x3FAB]  }
0x31: {  	[smem:$0x3FB4] =	sst s10  }
0x32: {  	s10 =	sld [smem:$0x3FB2];
	_ =	sdelay $0x3  }
0x33: {  	p0 =	seq.s32 s10, $0x1;
	s10 =	sld [smem:$0x3FB4];
	_ =	sdelay $0x3  }
0x34: {  	[smem:$0x3FB4] =	sst s10  }
0x35: {  	s10 =	sld [smem:$0x3FB3];
	_ =	sdelay $0x3  }
0x36: {  	p1 =	seq.s32 s10, $0x1;
	s10 =	sld [smem:$0x3FB4];
	_ =	sdelay $0x3  }
0x37: {  	[smem:$0x3FB4] =	sst s10  }
0x38: {  	s10 =	sld [smem:$0x3FB5]  }
0x39: {  	_ = 	snop;
	(pc) =	sbr.ind lr, $3  }
0x3a: {  	_ = 	snop  }
0x3b: {  	_ = 	snop  }
0x3c: {  	p2 =	seq.s32 s10, $0x1;
	s10 =	sld [smem:$0x3FB4]  }
0x3d: {  	_ =	shalt  }
0x3e: {  	_ =	shalt  }
0x3f: {  	_ =	shalt  }
0x40: {  	_ =	shalt  }
0x41: {  	_ =	shalt  }
0x42: {  	_ =	shalt  }
0x43: {  	_ =	shalt  }
0x44: {  	_ =	shalt  }
0x45: {  	_ =	shalt  }
0x46: {  	_ =	shalt  }
0x47: {  	_ =	shalt  }
0x48: {  	_ =	shalt  }
0x49: {  	_ =	shalt  }
0x4a: {  	_ =	shalt  }
0x4b: {  	_ =	shalt  }
0x4c: {  	_ =	shalt  }
0x4d: {  	_ =	shalt  }
0x4e: {  	_ =	shalt  }
0x4f: {  	_ =	shalt  }
0x50: {  	_ =	shalt  }
0x51: {  	_ =	shalt  }
0x52: {  	_ =	shalt  }
0x53: {  	_ =	shalt  }
0x54: {  	_ =	shalt  }
0x55: {  	_ =	shalt  }
0x56: {  	_ =	shalt  }
0x57: {  	_ =	shalt  }
0x58: {  	_ =	shalt  }
0x59: {  	_ =	shalt  }
0x5a: {  	_ =	shalt  }
0x5b: {  	_ =	shalt  }
0x5c: {  	_ =	shalt  }
0x5d: {  	_ =	shalt  }
0x5e: {  	_ =	shalt  }
0x5f: {  	_ =	shalt  }
0x60: {  	_ =	shalt  }
0x61: {  	_ =	shalt  }
0x62: {  	_ =	shalt  }
0x63: {  	_ =	shalt  }
0x64: {  	_ =	shalt  }
0x65: {  	_ =	shalt  }
0x66: {  	_ =	shalt  }
0x67: {  	_ =	shalt  }
0x68: {  	_ =	shalt  }
0x69: {  	_ =	shalt  }
0x6a: {  	_ =	shalt  }
0x6b: {  	_ =	shalt  }
0x6c: {  	_ =	shalt  }
0x6d: {  	_ =	shalt  }
0x6e: {  	_ =	shalt  }
0x6f: {  	_ =	shalt  }
0x70: {  	_ =	shalt  }
0x71: {  	_ =	shalt  }
0x72: {  	_ =	shalt  }
0x73: {  	_ =	shalt  }
0x74: {  	_ =	shalt  }
0x75: {  	_ =	shalt  }
0x76: {  	_ =	shalt  }
0x77: {  	_ =	shalt  }
0x78: {  	_ =	shalt  }
0x79: {  	_ =	shalt  }
0x7a: {  	_ =	shalt  }
0x7b: {  	_ =	shalt  }
0x7c: {  	_ =	shalt  }
0x7d: {  	_ =	shalt  }
0x7e: {  	_ =	shalt  }
0x7f: {  	_ =	shalt  }
0x80: {  	_ =	shalt  }
0x81: {  	_ =	shalt  }
0x82: {  	_ =	shalt  }
0x83: {  	_ =	shalt  }
0x84: {  	_ =	shalt  }
0x85: {  	_ =	shalt  }
0x86: {  	_ =	shalt  }
0x87: {  	_ =	shalt  }
.Lfunc_end0:
.L_simem_size_0:
called_computation_lowered:
.L_overlay_start_0:
0x88: {  	s2 =	sld [smem:$0x3FD9]  }
0x89: {  	s3 =	sld [smem:$0x3FFE];
	_ =	sdelay $0x1  }
0x8a: {  	s1 =	srdreg.scid  }
0x8b: {  	s0 =	sand.u32 $0x1, s1  }
0x8c: {  	s14 =	sshll.u32 s0, $0xA;
	s2 =	sadd.s32 s3, s2  }
0x8d: {  	s2 =	sadd.s32 s2, s14  }
0x8e: {  	[smem:$0x3FC0] =	sst s2  }
0x8f: {  	_ = 	snop  }
0x90: {  	s2 =	sld [smem:$0x3FD0];
	_ =	sdelay $0x2  }
0x91: {  	s15 =	simm.s32 $0xA;
	s4 =	simm.s32 $0x10  }
0x92: {  	[smem:s4], [sflag:s15] =	dma.local [hbm:s2], $0x1  }
0x93: {  	_ =	swait.eq [sflag:s15], $0x1  }
0x94: {  	[sflag:s15] =	ssyncset.done $0x0  }
0x95: {  	[sflag:s15] =	ssyncadd.s32 $0xFFFFFFFF  }
0x96: {  	s16 =	sld [smem:$0x10];
	(tm) =	ssettm $0x1  }
0x97: {  	s17 =	sld [smem:$0x3FFB];
	_ =	sdelay $0x3  }
0x98: {  	_ =	strace s17  }
0x99: {  	s3 =	sld [smem:$0x3FFC];
	_ =	sdelay $0x3  }
0x9a: {  	_ =	strace s3  }
0x9b: {  	s3 =	sld [smem:$0x3FFD];
	_ =	sdelay $0x3  }
0x9c: {  	_ =	strace s3  }
0x9d: {  	_ =	strace $0x8FFFFFFF  }
0x9e: {  	s18 =	sld [smem:$0x3FDB];
	_ =	sdelay $0x1  }
0x9f: {  	s19 =	simm.s32 $_scs_section_size  }
0xa0: {  	s5 =	simm.s32 $_size__tile_overlayer_lowered;
	s6 =	simm.s32 $_tile_overlayer_lowered  }
0xa1: {  	s22 =	simm.s32 $0x1BFF;
	s21 =	sshll.u32 s6, $0x1;
	s3 =	sadd.s32 s19, s18  }
0xa2: {  	s7 =	simm.s32 $0x0;
	s20 =	sshll.u32 s5, $0x1;
	s5 =	sadd.s32 s21, s3  }
0xa3: {  	[timem:s7], [sflag:s22] =	dma.local [hbm:s5], s20  }
0xa4: {  	_ =	swait.ge [sflag:s22], s20  }
0xa5: {  	s4 =	ssub.s32 $0x0, s20;
	[sflag:s22] =	ssyncset.done $0x0  }
0xa6: {  	[sflag:s22] =	ssyncadd.s32 s4;
	_ =	sdelay $0x1  }
0xa7: {  	s23 =	simm.s32 $0x1B8B  }
0xa8: {  	_ =	swait.ge [sflag:s23], $0x1  }
0xa9: {  	[sflag:s23] =	ssyncset.done $0x0  }
0xaa: {  	s25 =	simm.s32 $0x1B8E;
	s24 =	sld [smem:$0x3FFE];
	[sflag:s23] =	ssyncadd.s32 $0xFFFFFFFF  }
0xab: {  	s26 =	simm.s32 $execute0_lowered;
	[smem:$0x3FD2] =	sst s25  }
0xac: {  	s5 =	sshll.u32 s26, $0x1;
	_ =	strace $0x80000046;
	[dreg:$0x1] =	wrdreg $0xFFFFFFFF  }
0xad: {  	s28 =	simm.s32 $_size_execute0_lowered;
	s3 =	sadd.s32 s3, s5;
	[dreg:$0x0] =	wrdreg $0x0  }
0xae: {  	s5 =	sshll.u32 s28, $0x1;
	[dreg:$0x2] =	wrdreg s3  }
0xaf: {  	[dreg:$0x3] =	wrdreg s5  }
0xb0: {  	[dreg:$0x4] =	wrdreg $0xC0  }
0xb1: {  	_ =	task [dreg:s7], $0x5FFFF  }
0xb2: {  	[dreg:$0x1] =	wrdreg $0xFFFFFFFF  }
0xb3: {  	[dreg:$0x0] =	wrdreg $0x60  }
0xb4: {  	[dreg:$0x2] =	wrdreg s24  }
0xb5: {  	[dreg:$0x3] =	wrdreg s16  }
0xb6: {  	[dreg:$0x4] =	wrdreg $0x100000  }
0xb7: {  	[dreg:$0x5] =	wrdreg $0x9  }
0xb8: {  	_ =	task.clear_ibuf [dreg:s7], $0x6FFFF;
	_ =	strace $0x90000046  }
0xb9: {  	s29 =	simm.s32 $0x9;
	_ =	strace $0x80000048  }
0xba: {  	_ =	swait.ge [sflag:s29], $0x1  }
0xbb: {  	[sflag:s29] =	ssyncadd.s32 $0xFFFFFFFF  }
0xbc: {  	_ =	strace $0x90000048  }
0xbd: {  	_ =	sfence  }
0xbe: {  	s30 =	sld [smem:$0x0];
	_ =	sdelay $0x2  }
0xbf: {  	s31 =	sshll.u32 s1, $0xD;
	s1 =	sshrl.u32 s1, $0x2  }
0xc0: {  	s3 =	sand.u32 $0x4000, s31;
	s1 =	sadd.s32 s1, s30  }
0xc1: {  	s0 =	sor.u32 s3, s0;
	s1 =	sshll.u32 s1, $0x11  }
0xc2: {  	s0 =	sor.u32 s1, s0  }
0xc3: {  	s0 =	sadd.s32 $0x8F2B, s0  }
0xc4: {  	[sflag:s0] =	ssyncadd.remote.s32 $0x1  }
0xc5: {  	_ =	sfence.sel $0xFFFF  }
0xc6: {  	[dreg:$0x0] =	wrdreg $0xFFFFFFFF;
	(pc) =	sbr.abs _section_cstart, $3  }
0xc7: {  	[dreg:$0x1] =	wrdreg $0xFFFFFFFF  }
0xc8: {  	_ =	task.clear_ibuf [dreg:s7], $0x2FFFF;
	_ =	strace $0x9FFFFFFF  }
0xc9: {  	(tm) =	ssettm $0x7FFFFFFF  }
tec
execute0_lowered:
.L_overlay_start_1:
0x0: {  	(tag) =	ssettag $0x1  }
0x1: {  	s3 =	rddreg [dreg:$0x0]  }
0x2: {  	s4 =	rddreg [dreg:$0x1]  }
0x3: {  	s2 =	rddreg [dreg:$0x2]  }
0x4: {  	s0 =	rddreg [dreg:$0x3];
	s1 =	simm.s32 $0x0;
	s5 =	srdreg.scid  }
0x5: {  	s6 =	stileid.u32;
	p1 =	por $0x0, $0x0;
	[smem:$0x7FF] =	sst s1  }
0x6: {  	s15 =	sadd.s32 $0x1600, s3;
	s5 =	sand.u32 $0x1, s5;
	s8 =	sshll.u32 s6, $0xC  }
0x7: {  	s3 =	sadd.s32 $0x3600, s3;
	p0 =	sne.s32 s6, $0x0;
	s6 =	simm.s32 $0x11000  }
0x8: {  	_ =	strace $0x80000047;
	s7 =	ssub.s32 $0x2, s5;
	s5 =	sshll.u32 s5, $0xB  }
0x9: {  	s9 =	sshrl.u32 s7, $0x1;
	s5 =	sor.u32 s5, s8;
	s8 =	simm.s32 $0x11200  }
0xa: {  	s21 =	ssub.s32 s7, s9;
	s22 =	sshrl.u32 s5, $0x3;
	s23 =	sshll.u32 s5, $0x3  }
0xb: {  	s24 =	sor.u32 $0x200, s5;
	s10 =	sor.u32 $0x400, s5;
	s31 =	smax.u32 s21, $0x1  }
0xc: {  	s5 =	sor.u32 $0x600, s5;
	s9 =	simm.s32 $0x200;
	s19 =	sadd.s32 $0xFFFFFFFF, s31  }
0xd: {  	s16 =	sadd.s32 s3, s22;
	s13 =	sadd.s32 s4, s23;
	p2 =	sne.s32 s19, $0x0  }
.Ltmp0:
0xe: {  	s25 =	sshrl.u32 s24, $0x3;
	s7 =	sshll.u32 s24, $0x3;
	(pc) =	sbr.rel @!p2 .LBB2_3-.Ltmp0, $4  }
0xf: {  	s26 =	sshrl.u32 s10, $0x3;
	s28 =	sshll.u32 s10, $0x3;
	s29 =	sshrl.u32 s5, $0x3  }
0x10: {  	s30 =	sshll.u32 s5, $0x3;
	s10 =	simm.s32 $0x1;
	s14 =	sadd.s32 s3, s25  }
0x11: {  	s12 =	sadd.s32 s4, s7;
	s11 =	sadd.s32 s3, s26;
	s7 =	sadd.s32 s4, s28  }
0x12: {  	s5 =	sadd.s32 s3, s29;
	s3 =	sadd.s32 s4, s30;
	s4 =	simm.s32 $0x2  }
0x13: {  	s17 =	simm.s32 @!p0 $0x0;
	s18 =	simm.s32 @!p0 $0x2  }
0x14: {  	[tilespmem:s17], [sflag:$0x2] =	stream.linear.gather @!p0 [hbm4b:s15+s17], $0x10000, $0x38;
	[tilespmem:$0x19200] =	vst v63  }
0x15: {  	_ =	swait.ge @!p0 [sflag:s18], $0x10000  }
0x16: {  	[sflag:s18] =	ssyncset.done @!p0 $0x0  }
0x17: {  	[sflag:s18] =	ssyncadd.s32 @!p0 $0xFFFF0000  }
0x18: {  	[spmem:s2] =	stream.linear.scatter @!p0 [tilespmem:s17], [sflag:$0x2], $0x10000, $0x38;
	[tilespmem:$0x19200] =	vst v63  }
0x19: {  	_ =	swait.ge @!p0 [sflag:s18], $0x10000  }
0x1a: {  	[sflag:s18] =	ssyncset.done @!p0 $0x0  }
0x1b: {  	[sflag:s18] =	ssyncadd.s32 @!p0 $0xFFFF0000  }
0x1c: {  	[bflag:$0x0] =	sbarrier.arrive $0xFFFF  }
0x1d: {  	[tilespmem:s6], [sflag:$0x2] =	stream.linear.gather [hbm4b:s16+s1], $0x200, $0x38;
	[tilespmem:$0x19200] =	vst v63  }
0x1e: {  	_ =	swait.ge [sflag:s4], $0x200  }
0x1f: {  	[sflag:s4] =	ssyncset.done $0x0  }
0x20: {  	[sflag:s4] =	ssyncadd.s32 $0xFFFFFE00  }
0x21: {  	[tilespmem:s8], [sflag:$0x1] =	stream.indirect.gather [spmem:s2], $0x40, s6, s9, $0xb8;
	[tilespmem:$0x19200] =	vst v63  }
0x22: {  	_ =	swait.ge [sflag:s10], $0x8000  }
0x23: {  	[sflag:s10] =	ssyncset.done $0x0  }
0x24: {  	[sflag:s10] =	ssyncadd.s32 $0xFFFF8000  }
0x25: {  	[hbm4b:s13+s1] =	stream.linear.scatter [tilespmem:s8], [sflag:$0x2], $0x8000, $0x38;
	[tilespmem:$0x19200] =	vst v63  }
0x26: {  	_ =	swait.ge [sflag:s4], $0x8000  }
0x27: {  	[sflag:s4] =	ssyncset.done $0x0  }
0x28: {  	[sflag:s4] =	ssyncadd.s32 $0xFFFF8000  }
0x29: {  	[tilespmem:s6], [sflag:$0x2] =	stream.linear.gather [hbm4b:s14+s1], $0x200, $0x38;
	[tilespmem:$0x19200] =	vst v63  }
0x2a: {  	_ =	swait.ge [sflag:s4], $0x200  }
0x2b: {  	[sflag:s4] =	ssyncset.done $0x0  }
0x2c: {  	[sflag:s4] =	ssyncadd.s32 $0xFFFFFE00  }
0x2d: {  	[tilespmem:s8], [sflag:$0x1] =	stream.indirect.gather [spmem:s2], $0x40, s6, s9, $0xb8;
	[tilespmem:$0x19200] =	vst v63  }
0x2e: {  	_ =	swait.ge [sflag:s10], $0x8000  }
0x2f: {  	[sflag:s10] =	ssyncset.done $0x0  }
0x30: {  	[sflag:s10] =	ssyncadd.s32 $0xFFFF8000  }
0x31: {  	[hbm4b:s12+s1] =	stream.linear.scatter [tilespmem:s8], [sflag:$0x2], $0x8000, $0x38;
	[tilespmem:$0x19200] =	vst v63  }
0x32: {  	_ =	swait.ge [sflag:s4], $0x8000  }
0x33: {  	[sflag:s4] =	ssyncset.done $0x0  }
0x34: {  	[sflag:s4] =	ssyncadd.s32 $0xFFFF8000  }
0x35: {  	[tilespmem:s6], [sflag:$0x2] =	stream.linear.gather [hbm4b:s11+s1], $0x200, $0x38;
	[tilespmem:$0x19200] =	vst v63  }
0x36: {  	_ =	swait.ge [sflag:s4], $0x200  }
0x37: {  	[sflag:s4] =	ssyncset.done $0x0  }
0x38: {  	[sflag:s4] =	ssyncadd.s32 $0xFFFFFE00  }
0x39: {  	[tilespmem:s8], [sflag:$0x1] =	stream.indirect.gather [spmem:s2], $0x40, s6, s9, $0xb8;
	[tilespmem:$0x19200] =	vst v63  }
0x3a: {  	_ =	swait.ge [sflag:s10], $0x8000  }
0x3b: {  	[sflag:s10] =	ssyncset.done $0x0  }
0x3c: {  	[sflag:s10] =	ssyncadd.s32 $0xFFFF8000  }
0x3d: {  	[hbm4b:s7+s1] =	stream.linear.scatter [tilespmem:s8], [sflag:$0x2], $0x8000, $0x38;
	[tilespmem:$0x19200] =	vst v63  }
0x3e: {  	_ =	swait.ge [sflag:s4], $0x8000  }
0x3f: {  	[sflag:s4] =	ssyncset.done $0x0  }
0x40: {  	[sflag:s4] =	ssyncadd.s32 $0xFFFF8000  }
0x41: {  	[tilespmem:s6], [sflag:$0x2] =	stream.linear.gather [hbm4b:s5+s1], $0x200, $0x38;
	[tilespmem:$0x19200] =	vst v63  }
0x42: {  	_ =	swait.ge [sflag:s4], $0x200  }
0x43: {  	[sflag:s4] =	ssyncset.done $0x0  }
0x44: {  	s19 =	sadd.s32 $0xFFFFFFFF, s19;
	[sflag:s4] =	ssyncadd.s32 $0xFFFFFE00  }
0x45: {  	[tilespmem:s8], [sflag:$0x1] =	stream.indirect.gather [spmem:s2], $0x40, s6, s9, $0xb8;
	[tilespmem:$0x19200] =	vst v63  }
0x46: {  	p2 =	sne.s32 s19, $0x0;
	_ =	swait.ge [sflag:s10], $0x8000  }
.Ltmp1:
0x47: {  	[sflag:s10] =	ssyncset.done $0x0;
	(pc) =	sbr.rel @!p2 .LBB2_3-.Ltmp1, $4  }
0x48: {  	[sflag:s10] =	ssyncadd.s32 $0xFFFF8000  }
0x49: {  	[hbm4b:s3+s1] =	stream.linear.scatter [tilespmem:s8], [sflag:$0x2], $0x8000, $0x38;
	[tilespmem:$0x19200] =	vst v63  }
0x4a: {  	_ =	swait.ge [sflag:s4], $0x8000  }
0x4b: {  	p1 =	por $0x1, $0x1;
	[sflag:s4] =	ssyncset.done $0x0  }
.LBB2_2:
0x4c: {  	[sflag:s4] =	ssyncadd.s32 $0xFFFF8000  }
0x4d: {  	[tilespmem:s17], [sflag:$0x2] =	stream.linear.gather @!p0 [hbm4b:s15+s17], $0x10000, $0x38;
	[tilespmem:$0x19200] =	vst v63  }
0x4e: {  	s19 =	sadd.s32 $0xFFFFFFFF, s19;
	_ =	swait.ge @!p0 [sflag:s18], $0x10000  }
0x4f: {  	p2 =	sne.s32 s19, $0x0;
	[sflag:s18] =	ssyncset.done @!p0 $0x0  }
0x50: {  	[sflag:s18] =	ssyncadd.s32 @!p0 $0xFFFF0000  }
0x51: {  	[spmem:s2] =	stream.linear.scatter @!p0 [tilespmem:s17], [sflag:$0x2], $0x10000, $0x38;
	[tilespmem:$0x19200] =	vst v63  }
0x52: {  	_ =	swait.ge @!p0 [sflag:s18], $0x10000  }
0x53: {  	[sflag:s18] =	ssyncset.done @!p0 $0x0  }
0x54: {  	[sflag:s18] =	ssyncadd.s32 @!p0 $0xFFFF0000  }
0x55: {  	[bflag:$0x0] =	sbarrier.arrive $0xFFFF  }
0x56: {  	[tilespmem:s6], [sflag:$0x2] =	stream.linear.gather [hbm4b:s16+s1], $0x200, $0x38;
	[tilespmem:$0x19200] =	vst v63  }
0x57: {  	_ =	swait.ge [sflag:s4], $0x200  }
0x58: {  	[sflag:s4] =	ssyncset.done $0x0  }
0x59: {  	[sflag:s4] =	ssyncadd.s32 $0xFFFFFE00  }
0x5a: {  	[tilespmem:s8], [sflag:$0x1] =	stream.indirect.gather [spmem:s2], $0x40, s6, s9, $0xb8;
	[tilespmem:$0x19200] =	vst v63  }
0x5b: {  	_ =	swait.ge [sflag:s10], $0x8000  }
0x5c: {  	[sflag:s10] =	ssyncset.done $0x0  }
0x5d: {  	[sflag:s10] =	ssyncadd.s32 $0xFFFF8000  }
0x5e: {  	[hbm4b:s13+s1] =	stream.linear.scatter [tilespmem:s8], [sflag:$0x2], $0x8000, $0x38;
	[tilespmem:$0x19200] =	vst v63  }
0x5f: {  	_ =	swait.ge [sflag:s4], $0x8000  }
0x60: {  	[sflag:s4] =	ssyncset.done $0x0  }
0x61: {  	[sflag:s4] =	ssyncadd.s32 $0xFFFF8000  }
0x62: {  	[tilespmem:s6], [sflag:$0x2] =	stream.linear.gather [hbm4b:s14+s1], $0x200, $0x38;
	[tilespmem:$0x19200] =	vst v63  }
0x63: {  	_ =	swait.ge [sflag:s4], $0x200  }
0x64: {  	[sflag:s4] =	ssyncset.done $0x0  }
0x65: {  	[sflag:s4] =	ssyncadd.s32 $0xFFFFFE00  }
0x66: {  	[tilespmem:s8], [sflag:$0x1] =	stream.indirect.gather [spmem:s2], $0x40, s6, s9, $0xb8;
	[tilespmem:$0x19200] =	vst v63  }
0x67: {  	_ =	swait.ge [sflag:s10], $0x8000  }
0x68: {  	[sflag:s10] =	ssyncset.done $0x0  }
0x69: {  	[sflag:s10] =	ssyncadd.s32 $0xFFFF8000  }
0x6a: {  	[hbm4b:s12+s1] =	stream.linear.scatter [tilespmem:s8], [sflag:$0x2], $0x8000, $0x38;
	[tilespmem:$0x19200] =	vst v63  }
0x6b: {  	_ =	swait.ge [sflag:s4], $0x8000  }
0x6c: {  	[sflag:s4] =	ssyncset.done $0x0  }
0x6d: {  	[sflag:s4] =	ssyncadd.s32 $0xFFFF8000  }
0x6e: {  	[tilespmem:s6], [sflag:$0x2] =	stream.linear.gather [hbm4b:s11+s1], $0x200, $0x38;
	[tilespmem:$0x19200] =	vst v63  }
0x6f: {  	_ =	swait.ge [sflag:s4], $0x200  }
0x70: {  	[sflag:s4] =	ssyncset.done $0x0  }
0x71: {  	[sflag:s4] =	ssyncadd.s32 $0xFFFFFE00  }
0x72: {  	[tilespmem:s8], [sflag:$0x1] =	stream.indirect.gather [spmem:s2], $0x40, s6, s9, $0xb8;
	[tilespmem:$0x19200] =	vst v63  }
0x73: {  	_ =	swait.ge [sflag:s10], $0x8000  }
0x74: {  	[sflag:s10] =	ssyncset.done $0x0  }
0x75: {  	[sflag:s10] =	ssyncadd.s32 $0xFFFF8000  }
0x76: {  	[hbm4b:s7+s1] =	stream.linear.scatter [tilespmem:s8], [sflag:$0x2], $0x8000, $0x38;
	[tilespmem:$0x19200] =	vst v63  }
0x77: {  	_ =	swait.ge [sflag:s4], $0x8000  }
0x78: {  	[sflag:s4] =	ssyncset.done $0x0  }
0x79: {  	[sflag:s4] =	ssyncadd.s32 $0xFFFF8000  }
0x7a: {  	[tilespmem:s6], [sflag:$0x2] =	stream.linear.gather [hbm4b:s5+s1], $0x200, $0x38;
	[tilespmem:$0x19200] =	vst v63  }
0x7b: {  	_ =	swait.ge [sflag:s4], $0x200  }
0x7c: {  	[sflag:s4] =	ssyncset.done $0x0  }
0x7d: {  	[sflag:s4] =	ssyncadd.s32 $0xFFFFFE00  }
0x7e: {  	[tilespmem:s8], [sflag:$0x1] =	stream.indirect.gather [spmem:s2], $0x40, s6, s9, $0xb8;
	[tilespmem:$0x19200] =	vst v63  }
0x7f: {  	_ =	swait.ge [sflag:s10], $0x8000  }
.Ltmp2:
0x80: {  	[sflag:s10] =	ssyncset.done $0x0;
	(pc) =	sbr.rel @p2 .LBB2_2-.Ltmp2, $4  }
0x81: {  	[sflag:s10] =	ssyncadd.s32 $0xFFFF8000  }
0x82: {  	[hbm4b:s3+s1] =	stream.linear.scatter [tilespmem:s8], [sflag:$0x2], $0x8000, $0x38;
	[tilespmem:$0x19200] =	vst v63  }
0x83: {  	_ =	swait.ge [sflag:s4], $0x8000  }
0x84: {  	[sflag:s4] =	ssyncset.done $0x0  }
.LBB2_3:
0x85: {  	s17 =	simm.s32 @!p0 $0x0;
	s18 =	simm.s32 @!p0 $0x2;
	[sflag:s4] =	ssyncadd.s32 @p1 $0xFFFF8000  }
0x86: {  	[tilespmem:s17], [sflag:$0x2] =	stream.linear.gather @!p0 [hbm4b:s15+s17], $0x10000, $0x38;
	[tilespmem:$0x19200] =	vst v63  }
0x87: {  	_ =	swait.ge @!p0 [sflag:s18], $0x10000  }
0x88: {  	[sflag:s18] =	ssyncset.done @!p0 $0x0  }
0x89: {  	[sflag:s18] =	ssyncadd.s32 @!p0 $0xFFFF0000  }
0x8a: {  	[spmem:s2] =	stream.linear.scatter @!p0 [tilespmem:s17], [sflag:$0x2], $0x10000, $0x38;
	[tilespmem:$0x19200] =	vst v63  }
0x8b: {  	_ =	swait.ge @!p0 [sflag:s18], $0x10000  }
0x8c: {  	[sflag:s18] =	ssyncset.done @!p0 $0x0  }
0x8d: {  	[sflag:s18] =	ssyncadd.s32 @!p0 $0xFFFF0000  }
0x8e: {  	[bflag:$0x0] =	sbarrier.arrive $0xFFFF  }
0x8f: {  	[tilespmem:s6], [sflag:$0x2] =	stream.linear.gather [hbm4b:s16+s1], $0x200, $0x38;
	[tilespmem:$0x19200] =	vst v63  }
0x90: {  	_ =	swait.ge [sflag:s4], $0x200  }
0x91: {  	[sflag:s4] =	ssyncset.done $0x0  }
0x92: {  	[sflag:s4] =	ssyncadd.s32 $0xFFFFFE00  }
0x93: {  	[tilespmem:s8], [sflag:$0x1] =	stream.indirect.gather [spmem:s2], $0x40, s6, s9, $0xb8;
	[tilespmem:$0x19200] =	vst v63  }
0x94: {  	_ =	swait.ge [sflag:s10], $0x8000  }
0x95: {  	[sflag:s10] =	ssyncset.done $0x0  }
0x96: {  	[sflag:s10] =	ssyncadd.s32 $0xFFFF8000  }
0x97: {  	[hbm4b:s13+s1] =	stream.linear.scatter [tilespmem:s8], [sflag:$0x2], $0x8000, $0x38;
	[tilespmem:$0x19200] =	vst v63  }
0x98: {  	_ =	swait.ge [sflag:s4], $0x8000  }
0x99: {  	[sflag:s4] =	ssyncset.done $0x0  }
0x9a: {  	[sflag:s4] =	ssyncadd.s32 $0xFFFF8000  }
0x9b: {  	[tilespmem:s6], [sflag:$0x2] =	stream.linear.gather [hbm4b:s14+s1], $0x200, $0x38;
	[tilespmem:$0x19200] =	vst v63  }
0x9c: {  	_ =	swait.ge [sflag:s4], $0x200  }
0x9d: {  	[sflag:s4] =	ssyncset.done $0x0  }
0x9e: {  	[sflag:s4] =	ssyncadd.s32 $0xFFFFFE00  }
0x9f: {  	[tilespmem:s8], [sflag:$0x1] =	stream.indirect.gather [spmem:s2], $0x40, s6, s9, $0xb8;
	[tilespmem:$0x19200] =	vst v63  }
0xa0: {  	_ =	swait.ge [sflag:s10], $0x8000  }
0xa1: {  	[sflag:s10] =	ssyncset.done $0x0  }
0xa2: {  	[sflag:s10] =	ssyncadd.s32 $0xFFFF8000  }
0xa3: {  	[hbm4b:s12+s1] =	stream.linear.scatter [tilespmem:s8], [sflag:$0x2], $0x8000, $0x38;
	[tilespmem:$0x19200] =	vst v63  }
0xa4: {  	_ =	swait.ge [sflag:s4], $0x8000  }
0xa5: {  	[sflag:s4] =	ssyncset.done $0x0  }
0xa6: {  	[sflag:s4] =	ssyncadd.s32 $0xFFFF8000  }
0xa7: {  	[tilespmem:s6], [sflag:$0x2] =	stream.linear.gather [hbm4b:s11+s1], $0x200, $0x38;
	[tilespmem:$0x19200] =	vst v63  }
0xa8: {  	_ =	swait.ge [sflag:s4], $0x200  }
0xa9: {  	[sflag:s4] =	ssyncset.done $0x0  }
0xaa: {  	[sflag:s4] =	ssyncadd.s32 $0xFFFFFE00  }
0xab: {  	[tilespmem:s8], [sflag:$0x1] =	stream.indirect.gather [spmem:s2], $0x40, s6, s9, $0xb8;
	[tilespmem:$0x19200] =	vst v63  }
0xac: {  	_ =	swait.ge [sflag:s10], $0x8000  }
0xad: {  	[sflag:s10] =	ssyncset.done $0x0  }
0xae: {  	[sflag:s10] =	ssyncadd.s32 $0xFFFF8000  }
0xaf: {  	[hbm4b:s7+s1] =	stream.linear.scatter [tilespmem:s8], [sflag:$0x2], $0x8000, $0x38;
	[tilespmem:$0x19200] =	vst v63  }
0xb0: {  	_ =	swait.ge [sflag:s4], $0x8000  }
0xb1: {  	[sflag:s4] =	ssyncset.done $0x0  }
0xb2: {  	[sflag:s4] =	ssyncadd.s32 $0xFFFF8000  }
0xb3: {  	[tilespmem:s6], [sflag:$0x2] =	stream.linear.gather [hbm4b:s5+s1], $0x200, $0x38;
	[tilespmem:$0x19200] =	vst v63  }
0xb4: {  	_ =	swait.ge [sflag:s4], $0x200  }
0xb5: {  	[sflag:s4] =	ssyncset.done $0x0  }
0xb6: {  	[sflag:s4] =	ssyncadd.s32 $0xFFFFFE00  }
0xb7: {  	[tilespmem:s8], [sflag:$0x1] =	stream.indirect.gather [spmem:s2], $0x40, s6, s9, $0xb8;
	[tilespmem:$0x19200] =	vst v63  }
0xb8: {  	_ =	swait.ge [sflag:s10], $0x8000  }
0xb9: {  	[sflag:s10] =	ssyncset.done $0x0  }
0xba: {  	[sflag:s10] =	ssyncadd.s32 $0xFFFF8000  }
0xbb: {  	[hbm4b:s3+s1] =	stream.linear.scatter [tilespmem:s8], [sflag:$0x2], $0x8000, $0x38;
	[tilespmem:$0x19200] =	vst v63  }
0xbc: {  	_ =	swait.ge [sflag:s4], $0x8000  }
0xbd: {  	[sflag:s4] =	ssyncset.done $0x0  }
0xbe: {  	[sflag:s4] =	ssyncadd.s32 $0xFFFF8000  }
0xbf: {  	_ =	sfence.sel $0x180000  }
0xc0: {  	[bflag:$0x0] =	sbarrier.arrive $0xFFFF  }
0xc1: {  	_ =	strace $0x90000047  }
0xc2: {  	s0 =	sadd.s32 @!p0 $0x100000, s0;
	[bflag:$0x2] =	sbarrier.arrive $0xFFFF  }
0xc3: {  	[sflag:s0] =	ssyncadd.tile.s32 @!p0 $0x1;
	_ =	shalt  }
.Lfunc_end2:
_tile_overlayer_lowered:
.L_overlay_start_2:
0xc4: {  	(tag) =	ssettag $0x2  }
0xc5: {  	s0 =	rddreg [dreg:$0x0];
	s2 =	stileid.u32  }
0xc6: {  	s1 =	rddreg [dreg:$0x1];
	p0 =	sne.s32 s2, $0x0  }
0xc7: {  	s3 =	rddreg [dreg:$0x2];
	[bflag:$0x3] =	sbarrier.arrive $0xFFFF;
	s2 =	simm.s32 @!p0 $0x1C02  }
0xc8: {  	[timem:s3], [sflag:s2] =	dma.local @!p0 [hbm:s0], s1  }
0xc9: {  	s0 =	simm.s32 @!p0 $0x2  }
0xca: {  	_ =	swait.ge @!p0 [sflag:s0], s1  }
0xcb: {  	s1 =	ssub.s32 @!p0 $0x0, s1;
	[sflag:s0] =	ssyncset.done @!p0 $0x0  }
0xcc: {  	[sflag:s0] =	ssyncadd.s32 @!p0 s1  }
0xcd: {  	[bflag:$0x3] =	sbarrier.arrive $0xFFFF  }
0xce: {  	_ =	shalt  }

</sc_bundles>
